<compile_context>
chip_gen: v7x
topology: tpu7x:2x2x1
jax: 0.10.2.dev20260603
libtpu: 0.0.44.dev20260713+nightly
codegen_flags: <defaults>
</compile_context>

<pallas_src>
import functools

import jax
import jax.numpy as jnp
from jax import lax
from jax.experimental import pallas as pl
from jax.experimental.pallas import tpu as pltpu
from jax.experimental.pallas import tpu_sc as plsc

N = 10000
E = 320000
D_IN = 128
D_OUT = 64

NC = 2
NS = 16
NW = NC * NS
C = 128
K = 80
E_PAD = NW * K * C
ROWS_PER_TILE = 8 * (-(-(N + 1) // (8 * NS)))
N_PAD = NS * ROWS_PER_TILE
DEG_W = 8

_mesh = plsc.VectorSubcoreMesh(
    core_axis_name="c", subcore_axis_name="s", num_cores=NC, num_subcores=NS)


def _deg_body(dst_hbm, ones_hbm, zeros_hbm, out_hbm, idx_v, ones_v, acc_sh, dsem):
    c = lax.axis_index("c")
    s = lax.axis_index("s")
    wid = s * NC + c
    r0 = s * ROWS_PER_TILE
    pltpu.sync_copy(zeros_hbm.at[pl.ds(r0, ROWS_PER_TILE)],
                    acc_sh.at[pl.ds(r0, ROWS_PER_TILE)])
    pltpu.sync_copy(dst_hbm.at[wid], idx_v)
    pltpu.sync_copy(ones_hbm, ones_v)
    plsc.subcore_barrier()

    def body(jj, carry):
        j = jj * 8
        for u in range(8):
            pltpu.async_copy(ones_v, acc_sh.at[idx_v.at[j + u]], dsem, add=True)
        for u in range(8):
            pltpu.make_async_copy(ones_v, acc_sh.at[idx_v.at[j + u]], dsem).wait()
        return carry

    lax.fori_loop(0, K // 8, body, 0)
    plsc.subcore_barrier()
    pltpu.sync_copy(acc_sh.at[pl.ds(r0, ROWS_PER_TILE)],
                    out_hbm.at[c, pl.ds(r0, ROWS_PER_TILE)])


_deg_kernel = functools.partial(
    pl.kernel, _deg_body,
    out_type=jax.ShapeDtypeStruct((NC, N_PAD, DEG_W), jnp.float32),
    mesh=_mesh,
    compiler_params=pltpu.CompilerParams(use_tc_tiling_on_sc=False),
    scratch_types=[
        pltpu.VMEM((K, C), jnp.int32),
        pltpu.VMEM((C, DEG_W), jnp.float32),
        pltpu.VMEM_SHARED((N_PAD, DEG_W), jnp.float32),
        pltpu.SemaphoreType.DMA,
    ],
)


def _scat_body(hp_hbm, src_hbm, dst_hbm, out_hbm, sidx_v, didx_v, r0_v, r1_v,
               hp_sh, acc_sh, g0, g1):
    c = lax.axis_index("c")
    s = lax.axis_index("s")
    wid = s * NC + c
    row0 = s * ROWS_PER_TILE
    pltpu.sync_copy(hp_hbm.at[pl.ds(row0, ROWS_PER_TILE)],
                    hp_sh.at[pl.ds(row0, ROWS_PER_TILE)])
    pltpu.sync_copy(hp_hbm.at[pl.ds(row0, ROWS_PER_TILE)],
                    acc_sh.at[pl.ds(row0, ROWS_PER_TILE)])
    pltpu.sync_copy(src_hbm.at[wid], sidx_v)
    pltpu.sync_copy(dst_hbm.at[wid], didx_v)
    plsc.subcore_barrier()

    def gath(j, buf, sem):
        pltpu.async_copy(hp_sh.at[sidx_v.at[j]], buf, sem)

    def wait_gath(j, buf, sem):
        pltpu.make_async_copy(hp_sh.at[sidx_v.at[j]], buf, sem).wait()

    def scat(j, buf):
        pltpu.sync_copy(buf, acc_sh.at[didx_v.at[j]], add=True)

    gath(0, r0_v, g0)

    def body(jj, carry):
        j = jj * 2
        wait_gath(j, r0_v, g0)
        gath(j + 1, r1_v, g1)
        scat(j, r0_v)
        wait_gath(j + 1, r1_v, g1)
        gath(j + 2, r0_v, g0)
        scat(j + 1, r1_v)
        return carry

    lax.fori_loop(0, K // 2 - 1, body, 0)
    wait_gath(K - 2, r0_v, g0)
    gath(K - 1, r1_v, g1)
    scat(K - 2, r0_v)
    wait_gath(K - 1, r1_v, g1)
    scat(K - 1, r1_v)
    plsc.subcore_barrier()
    pltpu.sync_copy(acc_sh.at[pl.ds(row0, ROWS_PER_TILE)],
                    out_hbm.at[c, pl.ds(row0, ROWS_PER_TILE)])


_scat_kernel = functools.partial(
    pl.kernel, _scat_body,
    out_type=jax.ShapeDtypeStruct((NC, N_PAD, D_OUT), jnp.float32),
    mesh=_mesh,
    compiler_params=pltpu.CompilerParams(use_tc_tiling_on_sc=False),
    scratch_types=[
        pltpu.VMEM((K, C), jnp.int32),
        pltpu.VMEM((K, C), jnp.int32),
        pltpu.VMEM((C, D_OUT), jnp.float32),
        pltpu.VMEM((C, D_OUT), jnp.float32),
        pltpu.VMEM_SHARED((N_PAD, D_OUT), jnp.float32),
        pltpu.VMEM_SHARED((N_PAD, D_OUT), jnp.float32),
        pltpu.SemaphoreType.DMA,
        pltpu.SemaphoreType.DMA,
    ],
)


def _tc_transform_body(x_ref, w_ref, p_ref, hp_ref, dinv_ref):
    deg = p_ref[0] + p_ref[1] + 1.0
    dinv = lax.rsqrt(deg)
    dinv_ref[:] = dinv
    h = jnp.dot(x_ref[:], w_ref[:], preferred_element_type=jnp.float32)
    hp_ref[:N] = h * dinv[:N, :1]
    hp_ref[N:] = jnp.zeros((N_PAD - N, D_OUT), jnp.float32)


def _tc_finalize_body(a_ref, hp_ref, dinv_ref, b_ref, o_ref):
    ssum = a_ref[0, :N, :] + a_ref[1, :N, :] - hp_ref[:N, :]
    o_ref[:] = ssum * dinv_ref[:N, :1] + b_ref[:]


def kernel(features, edge_index, W, b):
    src = edge_index[0].astype(jnp.int32)
    dst = edge_index[1].astype(jnp.int32)
    pad = E_PAD - E
    src_p = jnp.concatenate([src, jnp.full((pad,), N, jnp.int32)])
    dst_p = jnp.concatenate([dst, jnp.full((pad,), N, jnp.int32)])
    src_rs = src_p.reshape(NW, K, C)
    dst_rs = dst_p.reshape(NW, K, C)
    ones = jnp.ones((C, DEG_W), jnp.float32)
    zeros = jnp.zeros((N_PAD, DEG_W), jnp.float32)

    degp = _deg_kernel()(dst_rs, ones, zeros)

    hp_pad, dinv = pl.pallas_call(
        _tc_transform_body,
        out_shape=(jax.ShapeDtypeStruct((N_PAD, D_OUT), jnp.float32),
                   jax.ShapeDtypeStruct((N_PAD, DEG_W), jnp.float32)),
    )(features, W, degp)

    accp = _scat_kernel()(hp_pad, src_rs, dst_rs)

    out = pl.pallas_call(
        _tc_finalize_body,
        out_shape=jax.ShapeDtypeStruct((N, D_OUT), jnp.float32),
    )(accp, hp_pad, dinv, b.reshape(1, D_OUT))
    return out

# --- scband reference (transcript-rebuilt; emitter-appended) ---
"""Pipeline reference for scband-base-gcelayer-36790689858199 (READ-ONLY COPY).

The authoritative reference and input builder live on the scoring server;
editing this copy changes nothing except your own understanding.
"""

import jax, jax.numpy as jnp
import numpy as np

N = 10000
E = 320000
D_IN = 128
D_OUT = 64


def setup_inputs(seed: int = 0) -> dict:
    key = jax.random.key(seed)
    k1, k2, k3 = jax.random.split(key, 3)
    features = jax.random.normal(k1, (N, D_IN), dtype=jnp.float32)
    edge_index = jax.random.randint(k2, (2, E), 0, N, dtype=jnp.int32)
    W = jax.random.normal(k3, (D_IN, D_OUT), dtype=jnp.float32) * (1.0 / np.sqrt(D_IN))
    b = jnp.zeros((D_OUT,), dtype=jnp.float32)
    return {"features": features, "edge_index": edge_index, "W": W, "b": b}


def reference(features, edge_index, W, b):
    # GCNConv(in_channels=field_dims, out_channels=embedding_dim) applied to the
    # stored node feature matrix with x = edge_index (derived-class forward).
    n = features.shape[0]
    h = features @ W  # linear transform before propagation
    src = edge_index[0]
    dst = edge_index[1]
    # add self-loops (PyG GCNConv default)
    loop = jnp.arange(n, dtype=edge_index.dtype)
    src_f = jnp.concatenate([src, loop])
    dst_f = jnp.concatenate([dst, loop])
    # symmetric normalization D^{-1/2} (A + I) D^{-1/2}
    deg = jax.ops.segment_sum(jnp.ones_like(dst_f, dtype=h.dtype), dst_f, num_segments=n)
    dinv = jnp.where(deg > 0, jax.lax.rsqrt(deg), 0.0)
    norm = dinv[src_f] * dinv[dst_f]
    msgs = h[src_f] * norm[:, None]  # gather
    out = jax.ops.segment_sum(msgs, dst_f, num_segments=n)  # scatter-add
    return out + b

if __name__ == "__main__":
    import jax
    _d = setup_inputs()
    print(jax.jit(kernel)(*tuple(_d.values())))

</pallas_src>

<mosaic_0001>
#map = affine_map<(d0, d1) -> (0, 0)>
#map1 = affine_map<(d0, d1) -> (0, 0, 0)>
module attributes {stable_mosaic.version = 14 : i64} {
  func.func @_scat_body(%arg0: i32, %arg1: i32, %arg2: memref<10112x64xf32, #tpu.memory_space<hbm>>, %arg3: memref<32x80x128xi32, #tpu.memory_space<hbm>>, %arg4: memref<32x80x128xi32, #tpu.memory_space<hbm>>, %arg5: memref<2x10112x64xf32, #tpu.memory_space<hbm>>, %arg6: memref<80x128xi32, #tpu.memory_space<vmem>>, %arg7: memref<80x128xi32, #tpu.memory_space<vmem>>, %arg8: memref<128x64xf32, #tpu.memory_space<vmem>>, %arg9: memref<128x64xf32, #tpu.memory_space<vmem>>, %arg10: memref<10112x64xf32, #tpu.memory_space<vmem_shared>>, %arg11: memref<10112x64xf32, #tpu.memory_space<vmem_shared>>, %arg12: memref<!tpu.dma_semaphore, #tpu.memory_space<semaphore_mem>>, %arg13: memref<!tpu.dma_semaphore, #tpu.memory_space<semaphore_mem>>) attributes {dimension_semantics = [#tpu.dimension_semantics<core_parallel>, #tpu.dimension_semantics<subcore_parallel>], iteration_bounds = array<i64: 2, 16>, scalar_prefetch = 0 : i64, scratch_operands = 8 : i64, tpu.core_type = #tpu.core_type<sc_vector_subcore>, window_params = [{transform_indices = #map}, {transform_indices = #map1}, {transform_indices = #map1}, {transform_indices = #map1}]} {
    %mul3A = arith.constant 2 : i32
    %mul3A_0 = arith.muli %arg1, %mul3A : i32
    %add3A = arith.addi %mul3A_0, %arg0 : i32
    %mul3A_1 = arith.constant 632 : i32
    %mul3A_2 = arith.muli %arg1, %mul3A_1 : i32
    "tpu.region"() ({
      %run_scoped3A_36 = tpu.sem_alloc : memref<!tpu.dma_semaphore, #tpu.memory_space<semaphore_mem>>
      %dma_start3A_37 = arith.constant 0 : i32
      %dma_start3A_38 = tpu.memref_slice %arg10[%mul3A_2, %dma_start3A_37] : memref<10112x64xf32, #tpu.memory_space<vmem_shared>> -> memref<632x64xf32, #tpu.memory_space<vmem_shared>>
      %dma_start3A_39 = arith.constant 0 : i32
      %dma_start3A_40 = tpu.memref_slice %arg2[%mul3A_2, %dma_start3A_39] : memref<10112x64xf32, #tpu.memory_space<hbm>> -> memref<632x64xf32, #tpu.memory_space<hbm>>
      tpu.enqueue_dma source(%dma_start3A_40 : memref<632x64xf32, #tpu.memory_space<hbm>>) target(%dma_start3A_38 : memref<632x64xf32, #tpu.memory_space<vmem_shared>>) target_semaphore(%run_scoped3A_36 : memref<!tpu.dma_semaphore, #tpu.memory_space<semaphore_mem>>)
      %dma_wait3A_41 = arith.constant 0 : i32
      %dma_wait3A_42 = tpu.memref_slice %arg10[%mul3A_2, %dma_wait3A_41] : memref<10112x64xf32, #tpu.memory_space<vmem_shared>> -> memref<632x64xf32, #tpu.memory_space<vmem_shared>>
      %dma_wait3A_43 = arith.constant 0 : i32
      %dma_wait3A_44 = tpu.memref_slice %arg2[%mul3A_2, %dma_wait3A_43] : memref<10112x64xf32, #tpu.memory_space<hbm>> -> memref<632x64xf32, #tpu.memory_space<hbm>>
      tpu.wait_dma2 semaphore(%run_scoped3A_36 : memref<!tpu.dma_semaphore, #tpu.memory_space<semaphore_mem>>) src(%dma_wait3A_44 : memref<632x64xf32, #tpu.memory_space<hbm>>) dst(%dma_wait3A_42 : memref<632x64xf32, #tpu.memory_space<vmem_shared>>)
      tpu.yield
    }) : () -> ()
    "tpu.region"() ({
      %run_scoped3A_36 = tpu.sem_alloc : memref<!tpu.dma_semaphore, #tpu.memory_space<semaphore_mem>>
      %dma_start3A_37 = arith.constant 0 : i32
      %dma_start3A_38 = tpu.memref_slice %arg11[%mul3A_2, %dma_start3A_37] : memref<10112x64xf32, #tpu.memory_space<vmem_shared>> -> memref<632x64xf32, #tpu.memory_space<vmem_shared>>
      %dma_start3A_39 = arith.constant 0 : i32
      %dma_start3A_40 = tpu.memref_slice %arg2[%mul3A_2, %dma_start3A_39] : memref<10112x64xf32, #tpu.memory_space<hbm>> -> memref<632x64xf32, #tpu.memory_space<hbm>>
      tpu.enqueue_dma source(%dma_start3A_40 : memref<632x64xf32, #tpu.memory_space<hbm>>) target(%dma_start3A_38 : memref<632x64xf32, #tpu.memory_space<vmem_shared>>) target_semaphore(%run_scoped3A_36 : memref<!tpu.dma_semaphore, #tpu.memory_space<semaphore_mem>>)
      %dma_wait3A_41 = arith.constant 0 : i32
      %dma_wait3A_42 = tpu.memref_slice %arg11[%mul3A_2, %dma_wait3A_41] : memref<10112x64xf32, #tpu.memory_space<vmem_shared>> -> memref<632x64xf32, #tpu.memory_space<vmem_shared>>
      %dma_wait3A_43 = arith.constant 0 : i32
      %dma_wait3A_44 = tpu.memref_slice %arg2[%mul3A_2, %dma_wait3A_43] : memref<10112x64xf32, #tpu.memory_space<hbm>> -> memref<632x64xf32, #tpu.memory_space<hbm>>
      tpu.wait_dma2 semaphore(%run_scoped3A_36 : memref<!tpu.dma_semaphore, #tpu.memory_space<semaphore_mem>>) src(%dma_wait3A_44 : memref<632x64xf32, #tpu.memory_space<hbm>>) dst(%dma_wait3A_42 : memref<632x64xf32, #tpu.memory_space<vmem_shared>>)
      tpu.yield
    }) : () -> ()
    "tpu.region"() ({
      %run_scoped3A_36 = tpu.sem_alloc : memref<!tpu.dma_semaphore, #tpu.memory_space<semaphore_mem>>
      %dma_start3A_37 = arith.constant 0 : i32
      %dma_start3A_38 = arith.constant 0 : i32
      %dma_start3A_39 = tpu.memref_slice %arg3[%add3A, %dma_start3A_37, %dma_start3A_38] : memref<32x80x128xi32, #tpu.memory_space<hbm>> -> memref<1x80x128xi32, #tpu.memory_space<hbm>>
      %dma_start3A_40 = tpu.memref_squeeze %dma_start3A_39 : memref<1x80x128xi32, #tpu.memory_space<hbm>> -> memref<80x128xi32, #tpu.memory_space<hbm>>
      %dma_start3A_41 = arith.constant 0 : i32
      %dma_start3A_42 = arith.constant 0 : i32
      %dma_start3A_43 = tpu.memref_slice %arg3[%add3A, %dma_start3A_41, %dma_start3A_42] : memref<32x80x128xi32, #tpu.memory_space<hbm>> -> memref<1x80x128xi32, #tpu.memory_space<hbm>>
      %dma_start3A_44 = tpu.memref_squeeze %dma_start3A_43 : memref<1x80x128xi32, #tpu.memory_space<hbm>> -> memref<80x128xi32, #tpu.memory_space<hbm>>
      tpu.enqueue_dma source(%dma_start3A_44 : memref<80x128xi32, #tpu.memory_space<hbm>>) target(%arg6 : memref<80x128xi32, #tpu.memory_space<vmem>>) target_semaphore(%run_scoped3A_36 : memref<!tpu.dma_semaphore, #tpu.memory_space<semaphore_mem>>)
      %dma_wait3A_45 = arith.constant 0 : i32
      %dma_wait3A_46 = arith.constant 0 : i32
      %dma_wait3A_47 = tpu.memref_slice %arg3[%add3A, %dma_wait3A_45, %dma_wait3A_46] : memref<32x80x128xi32, #tpu.memory_space<hbm>> -> memref<1x80x128xi32, #tpu.memory_space<hbm>>
      %dma_wait3A_48 = tpu.memref_squeeze %dma_wait3A_47 : memref<1x80x128xi32, #tpu.memory_space<hbm>> -> memref<80x128xi32, #tpu.memory_space<hbm>>
      %dma_wait3A_49 = arith.constant 0 : i32
      %dma_wait3A_50 = arith.constant 0 : i32
      %dma_wait3A_51 = tpu.memref_slice %arg3[%add3A, %dma_wait3A_49, %dma_wait3A_50] : memref<32x80x128xi32, #tpu.memory_space<hbm>> -> memref<1x80x128xi32, #tpu.memory_space<hbm>>
      %dma_wait3A_52 = tpu.memref_squeeze %dma_wait3A_51 : memref<1x80x128xi32, #tpu.memory_space<hbm>> -> memref<80x128xi32, #tpu.memory_space<hbm>>
      tpu.wait_dma2 semaphore(%run_scoped3A_36 : memref<!tpu.dma_semaphore, #tpu.memory_space<semaphore_mem>>) src(%dma_wait3A_52 : memref<80x128xi32, #tpu.memory_space<hbm>>) dst(%arg6 : memref<80x128xi32, #tpu.memory_space<vmem>>)
      tpu.yield
    }) : () -> ()
    "tpu.region"() ({
      %run_scoped3A_36 = tpu.sem_alloc : memref<!tpu.dma_semaphore, #tpu.memory_space<semaphore_mem>>
      %dma_start3A_37 = arith.constant 0 : i32
      %dma_start3A_38 = arith.constant 0 : i32
      %dma_start3A_39 = tpu.memref_slice %arg4[%add3A, %dma_start3A_37, %dma_start3A_38] : memref<32x80x128xi32, #tpu.memory_space<hbm>> -> memref<1x80x128xi32, #tpu.memory_space<hbm>>
      %dma_start3A_40 = tpu.memref_squeeze %dma_start3A_39 : memref<1x80x128xi32, #tpu.memory_space<hbm>> -> memref<80x128xi32, #tpu.memory_space<hbm>>
      %dma_start3A_41 = arith.constant 0 : i32
      %dma_start3A_42 = arith.constant 0 : i32
      %dma_start3A_43 = tpu.memref_slice %arg4[%add3A, %dma_start3A_41, %dma_start3A_42] : memref<32x80x128xi32, #tpu.memory_space<hbm>> -> memref<1x80x128xi32, #tpu.memory_space<hbm>>
      %dma_start3A_44 = tpu.memref_squeeze %dma_start3A_43 : memref<1x80x128xi32, #tpu.memory_space<hbm>> -> memref<80x128xi32, #tpu.memory_space<hbm>>
      tpu.enqueue_dma source(%dma_start3A_44 : memref<80x128xi32, #tpu.memory_space<hbm>>) target(%arg7 : memref<80x128xi32, #tpu.memory_space<vmem>>) target_semaphore(%run_scoped3A_36 : memref<!tpu.dma_semaphore, #tpu.memory_space<semaphore_mem>>)
      %dma_wait3A_45 = arith.constant 0 : i32
      %dma_wait3A_46 = arith.constant 0 : i32
      %dma_wait3A_47 = tpu.memref_slice %arg4[%add3A, %dma_wait3A_45, %dma_wait3A_46] : memref<32x80x128xi32, #tpu.memory_space<hbm>> -> memref<1x80x128xi32, #tpu.memory_space<hbm>>
      %dma_wait3A_48 = tpu.memref_squeeze %dma_wait3A_47 : memref<1x80x128xi32, #tpu.memory_space<hbm>> -> memref<80x128xi32, #tpu.memory_space<hbm>>
      %dma_wait3A_49 = arith.constant 0 : i32
      %dma_wait3A_50 = arith.constant 0 : i32
      %dma_wait3A_51 = tpu.memref_slice %arg4[%add3A, %dma_wait3A_49, %dma_wait3A_50] : memref<32x80x128xi32, #tpu.memory_space<hbm>> -> memref<1x80x128xi32, #tpu.memory_space<hbm>>
      %dma_wait3A_52 = tpu.memref_squeeze %dma_wait3A_51 : memref<1x80x128xi32, #tpu.memory_space<hbm>> -> memref<80x128xi32, #tpu.memory_space<hbm>>
      tpu.wait_dma2 semaphore(%run_scoped3A_36 : memref<!tpu.dma_semaphore, #tpu.memory_space<semaphore_mem>>) src(%dma_wait3A_52 : memref<80x128xi32, #tpu.memory_space<hbm>>) dst(%arg7 : memref<80x128xi32, #tpu.memory_space<vmem>>)
      tpu.yield
    }) : () -> ()
    %barrier3A = arith.constant 0 : index
    tpu.barrier barrier_id(%barrier3A)
    %dma_start3A = arith.constant 0 : i32
    %dma_start3A_3 = arith.constant 0 : i32
    %dma_start3A_4 = tpu.memref_slice %arg6[%dma_start3A, %dma_start3A_3] : memref<80x128xi32, #tpu.memory_space<vmem>> -> memref<1x128xi32, #tpu.memory_space<vmem>>
    %dma_start3A_5 = tpu.memref_squeeze %dma_start3A_4 : memref<1x128xi32, #tpu.memory_space<vmem>> -> memref<128xi32, #tpu.memory_space<vmem>>
    %dma_start3A_6 = arith.constant 0 : i32
    %dma_start3A_7 = arith.constant 0 : i32
    %dma_start3A_8 = tpu.memref_slice %arg10[%dma_start3A_6, %dma_start3A_7] : memref<10112x64xf32, #tpu.memory_space<vmem_shared>> -> memref<10112x64xf32, #tpu.memory_space<vmem_shared>>
    tpu.enqueue_indirect_dma source(%dma_start3A_8 : memref<10112x64xf32, #tpu.memory_space<vmem_shared>>) target(%arg8 : memref<128x64xf32, #tpu.memory_space<vmem>>) offsets(%dma_start3A_5 : memref<128xi32, #tpu.memory_space<vmem>>) semaphore(%arg12 : memref<!tpu.dma_semaphore, #tpu.memory_space<semaphore_mem>>)
    %scan3A = arith.constant 0 : i32
    %scan3A_9 = arith.constant 0 : i32
    %scan3A_10 = arith.constant 39 : i32
    %scan3A_11 = arith.addi %scan3A_9, %scan3A_10 : i32
    %scan3A_12 = arith.constant 1 : i32
    scf.for %scan3A_36 = %scan3A_9 to %scan3A_11 step %scan3A_12  : i32 {
      %mul3A_37 = arith.constant 2 : i32
      %mul3A_38 = arith.muli %scan3A_36, %mul3A_37 : i32
      %dma_wait3A_39 = arith.constant 0 : i32
      %dma_wait3A_40 = tpu.memref_slice %arg6[%mul3A_38, %dma_wait3A_39] : memref<80x128xi32, #tpu.memory_space<vmem>> -> memref<1x128xi32, #tpu.memory_space<vmem>>
      %dma_wait3A_41 = tpu.memref_squeeze %dma_wait3A_40 : memref<1x128xi32, #tpu.memory_space<vmem>> -> memref<128xi32, #tpu.memory_space<vmem>>
      %dma_wait3A_42 = arith.constant 0 : i32
      %dma_wait3A_43 = arith.constant 0 : i32
      %dma_wait3A_44 = tpu.memref_slice %arg10[%dma_wait3A_42, %dma_wait3A_43] : memref<10112x64xf32, #tpu.memory_space<vmem_shared>> -> memref<10112x64xf32, #tpu.memory_space<vmem_shared>>
      tpu.wait_indirect_dma semaphore(%arg12 : memref<!tpu.dma_semaphore, #tpu.memory_space<semaphore_mem>>) src(%dma_wait3A_44 : memref<10112x64xf32, #tpu.memory_space<vmem_shared>>) dst(%arg8 : memref<128x64xf32, #tpu.memory_space<vmem>>)
      %add3A_45 = arith.constant 1 : i32
      %add3A_46 = arith.addi %mul3A_38, %add3A_45 : i32
      %dma_start3A_47 = arith.constant 0 : i32
      %dma_start3A_48 = tpu.memref_slice %arg6[%add3A_46, %dma_start3A_47] : memref<80x128xi32, #tpu.memory_space<vmem>> -> memref<1x128xi32, #tpu.memory_space<vmem>>
      %dma_start3A_49 = tpu.memref_squeeze %dma_start3A_48 : memref<1x128xi32, #tpu.memory_space<vmem>> -> memref<128xi32, #tpu.memory_space<vmem>>
      %dma_start3A_50 = arith.constant 0 : i32
      %dma_start3A_51 = arith.constant 0 : i32
      %dma_start3A_52 = tpu.memref_slice %arg10[%dma_start3A_50, %dma_start3A_51] : memref<10112x64xf32, #tpu.memory_space<vmem_shared>> -> memref<10112x64xf32, #tpu.memory_space<vmem_shared>>
      tpu.enqueue_indirect_dma source(%dma_start3A_52 : memref<10112x64xf32, #tpu.memory_space<vmem_shared>>) target(%arg9 : memref<128x64xf32, #tpu.memory_space<vmem>>) offsets(%dma_start3A_49 : memref<128xi32, #tpu.memory_space<vmem>>) semaphore(%arg13 : memref<!tpu.dma_semaphore, #tpu.memory_space<semaphore_mem>>)
      "tpu.region"() ({
        %run_scoped3A_71 = tpu.sem_alloc : memref<!tpu.dma_semaphore, #tpu.memory_space<semaphore_mem>>
        %dma_start3A_72 = arith.constant 0 : i32
        %dma_start3A_73 = tpu.memref_slice %arg7[%mul3A_38, %dma_start3A_72] : memref<80x128xi32, #tpu.memory_space<vmem>> -> memref<1x128xi32, #tpu.memory_space<vmem>>
        %dma_start3A_74 = tpu.memref_squeeze %dma_start3A_73 : memref<1x128xi32, #tpu.memory_space<vmem>> -> memref<128xi32, #tpu.memory_space<vmem>>
        %dma_start3A_75 = arith.constant 0 : i32
        %dma_start3A_76 = arith.constant 0 : i32
        %dma_start3A_77 = tpu.memref_slice %arg11[%dma_start3A_75, %dma_start3A_76] : memref<10112x64xf32, #tpu.memory_space<vmem_shared>> -> memref<10112x64xf32, #tpu.memory_space<vmem_shared>>
        tpu.enqueue_indirect_dma source(%arg8 : memref<128x64xf32, #tpu.memory_space<vmem>>) target(%dma_start3A_77 : memref<10112x64xf32, #tpu.memory_space<vmem_shared>>) offsets(%dma_start3A_74 : memref<128xi32, #tpu.memory_space<vmem>>) semaphore(%run_scoped3A_71 : memref<!tpu.dma_semaphore, #tpu.memory_space<semaphore_mem>>) {add = true}
        %dma_wait3A_78 = arith.constant 0 : i32
        %dma_wait3A_79 = tpu.memref_slice %arg7[%mul3A_38, %dma_wait3A_78] : memref<80x128xi32, #tpu.memory_space<vmem>> -> memref<1x128xi32, #tpu.memory_space<vmem>>
        %dma_wait3A_80 = tpu.memref_squeeze %dma_wait3A_79 : memref<1x128xi32, #tpu.memory_space<vmem>> -> memref<128xi32, #tpu.memory_space<vmem>>
        %dma_wait3A_81 = arith.constant 0 : i32
        %dma_wait3A_82 = arith.constant 0 : i32
        %dma_wait3A_83 = tpu.memref_slice %arg11[%dma_wait3A_81, %dma_wait3A_82] : memref<10112x64xf32, #tpu.memory_space<vmem_shared>> -> memref<10112x64xf32, #tpu.memory_space<vmem_shared>>
        tpu.wait_indirect_dma semaphore(%run_scoped3A_71 : memref<!tpu.dma_semaphore, #tpu.memory_space<semaphore_mem>>) src(%arg8 : memref<128x64xf32, #tpu.memory_space<vmem>>) dst(%dma_wait3A_83 : memref<10112x64xf32, #tpu.memory_space<vmem_shared>>)
        tpu.yield
      }) : () -> ()
      %add3A_53 = arith.constant 1 : i32
      %add3A_54 = arith.addi %mul3A_38, %add3A_53 : i32
      %dma_wait3A_55 = arith.constant 0 : i32
      %dma_wait3A_56 = tpu.memref_slice %arg6[%add3A_54, %dma_wait3A_55] : memref<80x128xi32, #tpu.memory_space<vmem>> -> memref<1x128xi32, #tpu.memory_space<vmem>>
      %dma_wait3A_57 = tpu.memref_squeeze %dma_wait3A_56 : memref<1x128xi32, #tpu.memory_space<vmem>> -> memref<128xi32, #tpu.memory_space<vmem>>
      %dma_wait3A_58 = arith.constant 0 : i32
      %dma_wait3A_59 = arith.constant 0 : i32
      %dma_wait3A_60 = tpu.memref_slice %arg10[%dma_wait3A_58, %dma_wait3A_59] : memref<10112x64xf32, #tpu.memory_space<vmem_shared>> -> memref<10112x64xf32, #tpu.memory_space<vmem_shared>>
      tpu.wait_indirect_dma semaphore(%arg13 : memref<!tpu.dma_semaphore, #tpu.memory_space<semaphore_mem>>) src(%dma_wait3A_60 : memref<10112x64xf32, #tpu.memory_space<vmem_shared>>) dst(%arg9 : memref<128x64xf32, #tpu.memory_space<vmem>>)
      %add3A_61 = arith.constant 2 : i32
      %add3A_62 = arith.addi %mul3A_38, %add3A_61 : i32
      %dma_start3A_63 = arith.constant 0 : i32
      %dma_start3A_64 = tpu.memref_slice %arg6[%add3A_62, %dma_start3A_63] : memref<80x128xi32, #tpu.memory_space<vmem>> -> memref<1x128xi32, #tpu.memory_space<vmem>>
      %dma_start3A_65 = tpu.memref_squeeze %dma_start3A_64 : memref<1x128xi32, #tpu.memory_space<vmem>> -> memref<128xi32, #tpu.memory_space<vmem>>
      %dma_start3A_66 = arith.constant 0 : i32
      %dma_start3A_67 = arith.constant 0 : i32
      %dma_start3A_68 = tpu.memref_slice %arg10[%dma_start3A_66, %dma_start3A_67] : memref<10112x64xf32, #tpu.memory_space<vmem_shared>> -> memref<10112x64xf32, #tpu.memory_space<vmem_shared>>
      tpu.enqueue_indirect_dma source(%dma_start3A_68 : memref<10112x64xf32, #tpu.memory_space<vmem_shared>>) target(%arg8 : memref<128x64xf32, #tpu.memory_space<vmem>>) offsets(%dma_start3A_65 : memref<128xi32, #tpu.memory_space<vmem>>) semaphore(%arg12 : memref<!tpu.dma_semaphore, #tpu.memory_space<semaphore_mem>>)
      %add3A_69 = arith.constant 1 : i32
      %add3A_70 = arith.addi %mul3A_38, %add3A_69 : i32
      "tpu.region"() ({
        %run_scoped3A_71 = tpu.sem_alloc : memref<!tpu.dma_semaphore, #tpu.memory_space<semaphore_mem>>
        %dma_start3A_72 = arith.constant 0 : i32
        %dma_start3A_73 = tpu.memref_slice %arg7[%add3A_70, %dma_start3A_72] : memref<80x128xi32, #tpu.memory_space<vmem>> -> memref<1x128xi32, #tpu.memory_space<vmem>>
        %dma_start3A_74 = tpu.memref_squeeze %dma_start3A_73 : memref<1x128xi32, #tpu.memory_space<vmem>> -> memref<128xi32, #tpu.memory_space<vmem>>
        %dma_start3A_75 = arith.constant 0 : i32
        %dma_start3A_76 = arith.constant 0 : i32
        %dma_start3A_77 = tpu.memref_slice %arg11[%dma_start3A_75, %dma_start3A_76] : memref<10112x64xf32, #tpu.memory_space<vmem_shared>> -> memref<10112x64xf32, #tpu.memory_space<vmem_shared>>
        tpu.enqueue_indirect_dma source(%arg9 : memref<128x64xf32, #tpu.memory_space<vmem>>) target(%dma_start3A_77 : memref<10112x64xf32, #tpu.memory_space<vmem_shared>>) offsets(%dma_start3A_74 : memref<128xi32, #tpu.memory_space<vmem>>) semaphore(%run_scoped3A_71 : memref<!tpu.dma_semaphore, #tpu.memory_space<semaphore_mem>>) {add = true}
        %dma_wait3A_78 = arith.constant 0 : i32
        %dma_wait3A_79 = tpu.memref_slice %arg7[%add3A_70, %dma_wait3A_78] : memref<80x128xi32, #tpu.memory_space<vmem>> -> memref<1x128xi32, #tpu.memory_space<vmem>>
        %dma_wait3A_80 = tpu.memref_squeeze %dma_wait3A_79 : memref<1x128xi32, #tpu.memory_space<vmem>> -> memref<128xi32, #tpu.memory_space<vmem>>
        %dma_wait3A_81 = arith.constant 0 : i32
        %dma_wait3A_82 = arith.constant 0 : i32
        %dma_wait3A_83 = tpu.memref_slice %arg11[%dma_wait3A_81, %dma_wait3A_82] : memref<10112x64xf32, #tpu.memory_space<vmem_shared>> -> memref<10112x64xf32, #tpu.memory_space<vmem_shared>>
        tpu.wait_indirect_dma semaphore(%run_scoped3A_71 : memref<!tpu.dma_semaphore, #tpu.memory_space<semaphore_mem>>) src(%arg9 : memref<128x64xf32, #tpu.memory_space<vmem>>) dst(%dma_wait3A_83 : memref<10112x64xf32, #tpu.memory_space<vmem_shared>>)
        tpu.yield
      }) : () -> ()
    }
    %scan3A_13 = arith.constant 39 : i32
    %dma_wait3A = arith.constant 78 : i32
    %dma_wait3A_14 = arith.constant 0 : i32
    %dma_wait3A_15 = tpu.memref_slice %arg6[%dma_wait3A, %dma_wait3A_14] : memref<80x128xi32, #tpu.memory_space<vmem>> -> memref<1x128xi32, #tpu.memory_space<vmem>>
    %dma_wait3A_16 = tpu.memref_squeeze %dma_wait3A_15 : memref<1x128xi32, #tpu.memory_space<vmem>> -> memref<128xi32, #tpu.memory_space<vmem>>
    %dma_wait3A_17 = arith.constant 0 : i32
    %dma_wait3A_18 = arith.constant 0 : i32
    %dma_wait3A_19 = tpu.memref_slice %arg10[%dma_wait3A_17, %dma_wait3A_18] : memref<10112x64xf32, #tpu.memory_space<vmem_shared>> -> memref<10112x64xf32, #tpu.memory_space<vmem_shared>>
    tpu.wait_indirect_dma semaphore(%arg12 : memref<!tpu.dma_semaphore, #tpu.memory_space<semaphore_mem>>) src(%dma_wait3A_19 : memref<10112x64xf32, #tpu.memory_space<vmem_shared>>) dst(%arg8 : memref<128x64xf32, #tpu.memory_space<vmem>>)
    %dma_start3A_20 = arith.constant 79 : i32
    %dma_start3A_21 = arith.constant 0 : i32
    %dma_start3A_22 = tpu.memref_slice %arg6[%dma_start3A_20, %dma_start3A_21] : memref<80x128xi32, #tpu.memory_space<vmem>> -> memref<1x128xi32, #tpu.memory_space<vmem>>
    %dma_start3A_23 = tpu.memref_squeeze %dma_start3A_22 : memref<1x128xi32, #tpu.memory_space<vmem>> -> memref<128xi32, #tpu.memory_space<vmem>>
    %dma_start3A_24 = arith.constant 0 : i32
    %dma_start3A_25 = arith.constant 0 : i32
    %dma_start3A_26 = tpu.memref_slice %arg10[%dma_start3A_24, %dma_start3A_25] : memref<10112x64xf32, #tpu.memory_space<vmem_shared>> -> memref<10112x64xf32, #tpu.memory_space<vmem_shared>>
    tpu.enqueue_indirect_dma source(%dma_start3A_26 : memref<10112x64xf32, #tpu.memory_space<vmem_shared>>) target(%arg9 : memref<128x64xf32, #tpu.memory_space<vmem>>) offsets(%dma_start3A_23 : memref<128xi32, #tpu.memory_space<vmem>>) semaphore(%arg13 : memref<!tpu.dma_semaphore, #tpu.memory_space<semaphore_mem>>)
    %run_scoped3A = arith.constant 78 : i32
    "tpu.region"() ({
      %run_scoped3A_36 = tpu.sem_alloc : memref<!tpu.dma_semaphore, #tpu.memory_space<semaphore_mem>>
      %dma_start3A_37 = arith.constant 0 : i32
      %dma_start3A_38 = tpu.memref_slice %arg7[%run_scoped3A, %dma_start3A_37] : memref<80x128xi32, #tpu.memory_space<vmem>> -> memref<1x128xi32, #tpu.memory_space<vmem>>
      %dma_start3A_39 = tpu.memref_squeeze %dma_start3A_38 : memref<1x128xi32, #tpu.memory_space<vmem>> -> memref<128xi32, #tpu.memory_space<vmem>>
      %dma_start3A_40 = arith.constant 0 : i32
      %dma_start3A_41 = arith.constant 0 : i32
      %dma_start3A_42 = tpu.memref_slice %arg11[%dma_start3A_40, %dma_start3A_41] : memref<10112x64xf32, #tpu.memory_space<vmem_shared>> -> memref<10112x64xf32, #tpu.memory_space<vmem_shared>>
      tpu.enqueue_indirect_dma source(%arg8 : memref<128x64xf32, #tpu.memory_space<vmem>>) target(%dma_start3A_42 : memref<10112x64xf32, #tpu.memory_space<vmem_shared>>) offsets(%dma_start3A_39 : memref<128xi32, #tpu.memory_space<vmem>>) semaphore(%run_scoped3A_36 : memref<!tpu.dma_semaphore, #tpu.memory_space<semaphore_mem>>) {add = true}
      %dma_wait3A_43 = arith.constant 0 : i32
      %dma_wait3A_44 = tpu.memref_slice %arg7[%run_scoped3A, %dma_wait3A_43] : memref<80x128xi32, #tpu.memory_space<vmem>> -> memref<1x128xi32, #tpu.memory_space<vmem>>
      %dma_wait3A_45 = tpu.memref_squeeze %dma_wait3A_44 : memref<1x128xi32, #tpu.memory_space<vmem>> -> memref<128xi32, #tpu.memory_space<vmem>>
      %dma_wait3A_46 = arith.constant 0 : i32
      %dma_wait3A_47 = arith.constant 0 : i32
      %dma_wait3A_48 = tpu.memref_slice %arg11[%dma_wait3A_46, %dma_wait3A_47] : memref<10112x64xf32, #tpu.memory_space<vmem_shared>> -> memref<10112x64xf32, #tpu.memory_space<vmem_shared>>
      tpu.wait_indirect_dma semaphore(%run_scoped3A_36 : memref<!tpu.dma_semaphore, #tpu.memory_space<semaphore_mem>>) src(%arg8 : memref<128x64xf32, #tpu.memory_space<vmem>>) dst(%dma_wait3A_48 : memref<10112x64xf32, #tpu.memory_space<vmem_shared>>)
      tpu.yield
    }) : () -> ()
    %dma_wait3A_27 = arith.constant 79 : i32
    %dma_wait3A_28 = arith.constant 0 : i32
    %dma_wait3A_29 = tpu.memref_slice %arg6[%dma_wait3A_27, %dma_wait3A_28] : memref<80x128xi32, #tpu.memory_space<vmem>> -> memref<1x128xi32, #tpu.memory_space<vmem>>
    %dma_wait3A_30 = tpu.memref_squeeze %dma_wait3A_29 : memref<1x128xi32, #tpu.memory_space<vmem>> -> memref<128xi32, #tpu.memory_space<vmem>>
    %dma_wait3A_31 = arith.constant 0 : i32
    %dma_wait3A_32 = arith.constant 0 : i32
    %dma_wait3A_33 = tpu.memref_slice %arg10[%dma_wait3A_31, %dma_wait3A_32] : memref<10112x64xf32, #tpu.memory_space<vmem_shared>> -> memref<10112x64xf32, #tpu.memory_space<vmem_shared>>
    tpu.wait_indirect_dma semaphore(%arg13 : memref<!tpu.dma_semaphore, #tpu.memory_space<semaphore_mem>>) src(%dma_wait3A_33 : memref<10112x64xf32, #tpu.memory_space<vmem_shared>>) dst(%arg9 : memref<128x64xf32, #tpu.memory_space<vmem>>)
    %run_scoped3A_34 = arith.constant 79 : i32
    "tpu.region"() ({
      %run_scoped3A_36 = tpu.sem_alloc : memref<!tpu.dma_semaphore, #tpu.memory_space<semaphore_mem>>
      %dma_start3A_37 = arith.constant 0 : i32
      %dma_start3A_38 = tpu.memref_slice %arg7[%run_scoped3A_34, %dma_start3A_37] : memref<80x128xi32, #tpu.memory_space<vmem>> -> memref<1x128xi32, #tpu.memory_space<vmem>>
      %dma_start3A_39 = tpu.memref_squeeze %dma_start3A_38 : memref<1x128xi32, #tpu.memory_space<vmem>> -> memref<128xi32, #tpu.memory_space<vmem>>
      %dma_start3A_40 = arith.constant 0 : i32
      %dma_start3A_41 = arith.constant 0 : i32
      %dma_start3A_42 = tpu.memref_slice %arg11[%dma_start3A_40, %dma_start3A_41] : memref<10112x64xf32, #tpu.memory_space<vmem_shared>> -> memref<10112x64xf32, #tpu.memory_space<vmem_shared>>
      tpu.enqueue_indirect_dma source(%arg9 : memref<128x64xf32, #tpu.memory_space<vmem>>) target(%dma_start3A_42 : memref<10112x64xf32, #tpu.memory_space<vmem_shared>>) offsets(%dma_start3A_39 : memref<128xi32, #tpu.memory_space<vmem>>) semaphore(%run_scoped3A_36 : memref<!tpu.dma_semaphore, #tpu.memory_space<semaphore_mem>>) {add = true}
      %dma_wait3A_43 = arith.constant 0 : i32
      %dma_wait3A_44 = tpu.memref_slice %arg7[%run_scoped3A_34, %dma_wait3A_43] : memref<80x128xi32, #tpu.memory_space<vmem>> -> memref<1x128xi32, #tpu.memory_space<vmem>>
      %dma_wait3A_45 = tpu.memref_squeeze %dma_wait3A_44 : memref<1x128xi32, #tpu.memory_space<vmem>> -> memref<128xi32, #tpu.memory_space<vmem>>
      %dma_wait3A_46 = arith.constant 0 : i32
      %dma_wait3A_47 = arith.constant 0 : i32
      %dma_wait3A_48 = tpu.memref_slice %arg11[%dma_wait3A_46, %dma_wait3A_47] : memref<10112x64xf32, #tpu.memory_space<vmem_shared>> -> memref<10112x64xf32, #tpu.memory_space<vmem_shared>>
      tpu.wait_indirect_dma semaphore(%run_scoped3A_36 : memref<!tpu.dma_semaphore, #tpu.memory_space<semaphore_mem>>) src(%arg9 : memref<128x64xf32, #tpu.memory_space<vmem>>) dst(%dma_wait3A_48 : memref<10112x64xf32, #tpu.memory_space<vmem_shared>>)
      tpu.yield
    }) : () -> ()
    %barrier3A_35 = arith.constant 0 : index
    tpu.barrier barrier_id(%barrier3A_35)
    "tpu.region"() ({
      %run_scoped3A_36 = tpu.sem_alloc : memref<!tpu.dma_semaphore, #tpu.memory_space<semaphore_mem>>
      %dma_start3A_37 = arith.constant 0 : i32
      %dma_start3A_38 = tpu.memref_slice %arg5[%arg0, %mul3A_2, %dma_start3A_37] : memref<2x10112x64xf32, #tpu.memory_space<hbm>> -> memref<1x632x64xf32, #tpu.memory_space<hbm>>
      %dma_start3A_39 = tpu.memref_squeeze %dma_start3A_38 : memref<1x632x64xf32, #tpu.memory_space<hbm>> -> memref<632x64xf32, #tpu.memory_space<hbm>>
      %dma_start3A_40 = arith.constant 0 : i32
      %dma_start3A_41 = tpu.memref_slice %arg11[%mul3A_2, %dma_start3A_40] : memref<10112x64xf32, #tpu.memory_space<vmem_shared>> -> memref<632x64xf32, #tpu.memory_space<vmem_shared>>
      tpu.enqueue_dma source(%dma_start3A_41 : memref<632x64xf32, #tpu.memory_space<vmem_shared>>) target(%dma_start3A_39 : memref<632x64xf32, #tpu.memory_space<hbm>>) target_semaphore(%run_scoped3A_36 : memref<!tpu.dma_semaphore, #tpu.memory_space<semaphore_mem>>)
      %dma_wait3A_42 = arith.constant 0 : i32
      %dma_wait3A_43 = tpu.memref_slice %arg5[%arg0, %mul3A_2, %dma_wait3A_42] : memref<2x10112x64xf32, #tpu.memory_space<hbm>> -> memref<1x632x64xf32, #tpu.memory_space<hbm>>
      %dma_wait3A_44 = tpu.memref_squeeze %dma_wait3A_43 : memref<1x632x64xf32, #tpu.memory_space<hbm>> -> memref<632x64xf32, #tpu.memory_space<hbm>>
      %dma_wait3A_45 = arith.constant 0 : i32
      %dma_wait3A_46 = tpu.memref_slice %arg11[%mul3A_2, %dma_wait3A_45] : memref<10112x64xf32, #tpu.memory_space<vmem_shared>> -> memref<632x64xf32, #tpu.memory_space<vmem_shared>>
      tpu.wait_dma2 semaphore(%run_scoped3A_36 : memref<!tpu.dma_semaphore, #tpu.memory_space<semaphore_mem>>) src(%dma_wait3A_46 : memref<632x64xf32, #tpu.memory_space<vmem_shared>>) dst(%dma_wait3A_44 : memref<632x64xf32, #tpu.memory_space<hbm>>)
      tpu.yield
    }) : () -> ()
    return
  }
}

#map = affine_map<(d0, d1) -> (0, 0, 0)>
#map1 = affine_map<(d0, d1) -> (0, 0)>
module attributes {stable_mosaic.version = 14 : i64} {
  func.func @_deg_body(%arg0: i32, %arg1: i32, %arg2: memref<32x80x128xi32, #tpu.memory_space<hbm>>, %arg3: memref<128x8xf32, #tpu.memory_space<hbm>>, %arg4: memref<10112x8xf32, #tpu.memory_space<hbm>>, %arg5: memref<2x10112x8xf32, #tpu.memory_space<hbm>>, %arg6: memref<80x128xi32, #tpu.memory_space<vmem>>, %arg7: memref<128x8xf32, #tpu.memory_space<vmem>>, %arg8: memref<10112x8xf32, #tpu.memory_space<vmem_shared>>, %arg9: memref<!tpu.dma_semaphore, #tpu.memory_space<semaphore_mem>>) attributes {dimension_semantics = [#tpu.dimension_semantics<core_parallel>, #tpu.dimension_semantics<subcore_parallel>], iteration_bounds = array<i64: 2, 16>, scalar_prefetch = 0 : i64, scratch_operands = 4 : i64, tpu.core_type = #tpu.core_type<sc_vector_subcore>, window_params = [{transform_indices = #map}, {transform_indices = #map1}, {transform_indices = #map1}, {transform_indices = #map}]} {
    %mul3A = arith.constant 2 : i32
    %mul3A_0 = arith.muli %arg1, %mul3A : i32
    %add3A = arith.addi %mul3A_0, %arg0 : i32
    %mul3A_1 = arith.constant 632 : i32
    %mul3A_2 = arith.muli %arg1, %mul3A_1 : i32
    "tpu.region"() ({
      %run_scoped3A = tpu.sem_alloc : memref<!tpu.dma_semaphore, #tpu.memory_space<semaphore_mem>>
      %dma_start3A = arith.constant 0 : i32
      %dma_start3A_9 = tpu.memref_slice %arg8[%mul3A_2, %dma_start3A] : memref<10112x8xf32, #tpu.memory_space<vmem_shared>> -> memref<632x8xf32, #tpu.memory_space<vmem_shared>>
      %dma_start3A_10 = arith.constant 0 : i32
      %dma_start3A_11 = tpu.memref_slice %arg4[%mul3A_2, %dma_start3A_10] : memref<10112x8xf32, #tpu.memory_space<hbm>> -> memref<632x8xf32, #tpu.memory_space<hbm>>
      tpu.enqueue_dma source(%dma_start3A_11 : memref<632x8xf32, #tpu.memory_space<hbm>>) target(%dma_start3A_9 : memref<632x8xf32, #tpu.memory_space<vmem_shared>>) target_semaphore(%run_scoped3A : memref<!tpu.dma_semaphore, #tpu.memory_space<semaphore_mem>>)
      %dma_wait3A = arith.constant 0 : i32
      %dma_wait3A_12 = tpu.memref_slice %arg8[%mul3A_2, %dma_wait3A] : memref<10112x8xf32, #tpu.memory_space<vmem_shared>> -> memref<632x8xf32, #tpu.memory_space<vmem_shared>>
      %dma_wait3A_13 = arith.constant 0 : i32
      %dma_wait3A_14 = tpu.memref_slice %arg4[%mul3A_2, %dma_wait3A_13] : memref<10112x8xf32, #tpu.memory_space<hbm>> -> memref<632x8xf32, #tpu.memory_space<hbm>>
      tpu.wait_dma2 semaphore(%run_scoped3A : memref<!tpu.dma_semaphore, #tpu.memory_space<semaphore_mem>>) src(%dma_wait3A_14 : memref<632x8xf32, #tpu.memory_space<hbm>>) dst(%dma_wait3A_12 : memref<632x8xf32, #tpu.memory_space<vmem_shared>>)
      tpu.yield
    }) : () -> ()
    "tpu.region"() ({
      %run_scoped3A = tpu.sem_alloc : memref<!tpu.dma_semaphore, #tpu.memory_space<semaphore_mem>>
      %dma_start3A = arith.constant 0 : i32
      %dma_start3A_9 = arith.constant 0 : i32
      %dma_start3A_10 = tpu.memref_slice %arg2[%add3A, %dma_start3A, %dma_start3A_9] : memref<32x80x128xi32, #tpu.memory_space<hbm>> -> memref<1x80x128xi32, #tpu.memory_space<hbm>>
      %dma_start3A_11 = tpu.memref_squeeze %dma_start3A_10 : memref<1x80x128xi32, #tpu.memory_space<hbm>> -> memref<80x128xi32, #tpu.memory_space<hbm>>
      %dma_start3A_12 = arith.constant 0 : i32
      %dma_start3A_13 = arith.constant 0 : i32
      %dma_start3A_14 = tpu.memref_slice %arg2[%add3A, %dma_start3A_12, %dma_start3A_13] : memref<32x80x128xi32, #tpu.memory_space<hbm>> -> memref<1x80x128xi32, #tpu.memory_space<hbm>>
      %dma_start3A_15 = tpu.memref_squeeze %dma_start3A_14 : memref<1x80x128xi32, #tpu.memory_space<hbm>> -> memref<80x128xi32, #tpu.memory_space<hbm>>
      tpu.enqueue_dma source(%dma_start3A_15 : memref<80x128xi32, #tpu.memory_space<hbm>>) target(%arg6 : memref<80x128xi32, #tpu.memory_space<vmem>>) target_semaphore(%run_scoped3A : memref<!tpu.dma_semaphore, #tpu.memory_space<semaphore_mem>>)
      %dma_wait3A = arith.constant 0 : i32
      %dma_wait3A_16 = arith.constant 0 : i32
      %dma_wait3A_17 = tpu.memref_slice %arg2[%add3A, %dma_wait3A, %dma_wait3A_16] : memref<32x80x128xi32, #tpu.memory_space<hbm>> -> memref<1x80x128xi32, #tpu.memory_space<hbm>>
      %dma_wait3A_18 = tpu.memref_squeeze %dma_wait3A_17 : memref<1x80x128xi32, #tpu.memory_space<hbm>> -> memref<80x128xi32, #tpu.memory_space<hbm>>
      %dma_wait3A_19 = arith.constant 0 : i32
      %dma_wait3A_20 = arith.constant 0 : i32
      %dma_wait3A_21 = tpu.memref_slice %arg2[%add3A, %dma_wait3A_19, %dma_wait3A_20] : memref<32x80x128xi32, #tpu.memory_space<hbm>> -> memref<1x80x128xi32, #tpu.memory_space<hbm>>
      %dma_wait3A_22 = tpu.memref_squeeze %dma_wait3A_21 : memref<1x80x128xi32, #tpu.memory_space<hbm>> -> memref<80x128xi32, #tpu.memory_space<hbm>>
      tpu.wait_dma2 semaphore(%run_scoped3A : memref<!tpu.dma_semaphore, #tpu.memory_space<semaphore_mem>>) src(%dma_wait3A_22 : memref<80x128xi32, #tpu.memory_space<hbm>>) dst(%arg6 : memref<80x128xi32, #tpu.memory_space<vmem>>)
      tpu.yield
    }) : () -> ()
    "tpu.region"() ({
      %run_scoped3A = tpu.sem_alloc : memref<!tpu.dma_semaphore, #tpu.memory_space<semaphore_mem>>
      tpu.enqueue_dma source(%arg3 : memref<128x8xf32, #tpu.memory_space<hbm>>) target(%arg7 : memref<128x8xf32, #tpu.memory_space<vmem>>) target_semaphore(%run_scoped3A : memref<!tpu.dma_semaphore, #tpu.memory_space<semaphore_mem>>)
      tpu.wait_dma2 semaphore(%run_scoped3A : memref<!tpu.dma_semaphore, #tpu.memory_space<semaphore_mem>>) src(%arg3 : memref<128x8xf32, #tpu.memory_space<hbm>>) dst(%arg7 : memref<128x8xf32, #tpu.memory_space<vmem>>)
      tpu.yield
    }) : () -> ()
    %barrier3A = arith.constant 0 : index
    tpu.barrier barrier_id(%barrier3A)
    %scan3A = arith.constant 0 : i32
    %scan3A_3 = arith.constant 0 : i32
    %scan3A_4 = arith.constant 10 : i32
    %scan3A_5 = arith.addi %scan3A_3, %scan3A_4 : i32
    %scan3A_6 = arith.constant 1 : i32
    scf.for %scan3A_9 = %scan3A_3 to %scan3A_5 step %scan3A_6  : i32 {
      %mul3A_10 = arith.constant 8 : i32
      %mul3A_11 = arith.muli %scan3A_9, %mul3A_10 : i32
      %add3A_12 = arith.constant 0 : i32
      %add3A_13 = arith.addi %mul3A_11, %add3A_12 : i32
      %dma_start3A = arith.constant 0 : i32
      %dma_start3A_14 = tpu.memref_slice %arg6[%add3A_13, %dma_start3A] : memref<80x128xi32, #tpu.memory_space<vmem>> -> memref<1x128xi32, #tpu.memory_space<vmem>>
      %dma_start3A_15 = tpu.memref_squeeze %dma_start3A_14 : memref<1x128xi32, #tpu.memory_space<vmem>> -> memref<128xi32, #tpu.memory_space<vmem>>
      %dma_start3A_16 = arith.constant 0 : i32
      %dma_start3A_17 = arith.constant 0 : i32
      %dma_start3A_18 = tpu.memref_slice %arg8[%dma_start3A_16, %dma_start3A_17] : memref<10112x8xf32, #tpu.memory_space<vmem_shared>> -> memref<10112x8xf32, #tpu.memory_space<vmem_shared>>
      tpu.enqueue_indirect_dma source(%arg7 : memref<128x8xf32, #tpu.memory_space<vmem>>) target(%dma_start3A_18 : memref<10112x8xf32, #tpu.memory_space<vmem_shared>>) offsets(%dma_start3A_15 : memref<128xi32, #tpu.memory_space<vmem>>) semaphore(%arg9 : memref<!tpu.dma_semaphore, #tpu.memory_space<semaphore_mem>>) {add = true}
      %add3A_19 = arith.constant 1 : i32
      %add3A_20 = arith.addi %mul3A_11, %add3A_19 : i32
      %dma_start3A_21 = arith.constant 0 : i32
      %dma_start3A_22 = tpu.memref_slice %arg6[%add3A_20, %dma_start3A_21] : memref<80x128xi32, #tpu.memory_space<vmem>> -> memref<1x128xi32, #tpu.memory_space<vmem>>
      %dma_start3A_23 = tpu.memref_squeeze %dma_start3A_22 : memref<1x128xi32, #tpu.memory_space<vmem>> -> memref<128xi32, #tpu.memory_space<vmem>>
      %dma_start3A_24 = arith.constant 0 : i32
      %dma_start3A_25 = arith.constant 0 : i32
      %dma_start3A_26 = tpu.memref_slice %arg8[%dma_start3A_24, %dma_start3A_25] : memref<10112x8xf32, #tpu.memory_space<vmem_shared>> -> memref<10112x8xf32, #tpu.memory_space<vmem_shared>>
      tpu.enqueue_indirect_dma source(%arg7 : memref<128x8xf32, #tpu.memory_space<vmem>>) target(%dma_start3A_26 : memref<10112x8xf32, #tpu.memory_space<vmem_shared>>) offsets(%dma_start3A_23 : memref<128xi32, #tpu.memory_space<vmem>>) semaphore(%arg9 : memref<!tpu.dma_semaphore, #tpu.memory_space<semaphore_mem>>) {add = true}
      %add3A_27 = arith.constant 2 : i32
      %add3A_28 = arith.addi %mul3A_11, %add3A_27 : i32
      %dma_start3A_29 = arith.constant 0 : i32
      %dma_start3A_30 = tpu.memref_slice %arg6[%add3A_28, %dma_start3A_29] : memref<80x128xi32, #tpu.memory_space<vmem>> -> memref<1x128xi32, #tpu.memory_space<vmem>>
      %dma_start3A_31 = tpu.memref_squeeze %dma_start3A_30 : memref<1x128xi32, #tpu.memory_space<vmem>> -> memref<128xi32, #tpu.memory_space<vmem>>
      %dma_start3A_32 = arith.constant 0 : i32
      %dma_start3A_33 = arith.constant 0 : i32
      %dma_start3A_34 = tpu.memref_slice %arg8[%dma_start3A_32, %dma_start3A_33] : memref<10112x8xf32, #tpu.memory_space<vmem_shared>> -> memref<10112x8xf32, #tpu.memory_space<vmem_shared>>
      tpu.enqueue_indirect_dma source(%arg7 : memref<128x8xf32, #tpu.memory_space<vmem>>) target(%dma_start3A_34 : memref<10112x8xf32, #tpu.memory_space<vmem_shared>>) offsets(%dma_start3A_31 : memref<128xi32, #tpu.memory_space<vmem>>) semaphore(%arg9 : memref<!tpu.dma_semaphore, #tpu.memory_space<semaphore_mem>>) {add = true}
      %add3A_35 = arith.constant 3 : i32
      %add3A_36 = arith.addi %mul3A_11, %add3A_35 : i32
      %dma_start3A_37 = arith.constant 0 : i32
      %dma_start3A_38 = tpu.memref_slice %arg6[%add3A_36, %dma_start3A_37] : memref<80x128xi32, #tpu.memory_space<vmem>> -> memref<1x128xi32, #tpu.memory_space<vmem>>
      %dma_start3A_39 = tpu.memref_squeeze %dma_start3A_38 : memref<1x128xi32, #tpu.memory_space<vmem>> -> memref<128xi32, #tpu.memory_space<vmem>>
      %dma_start3A_40 = arith.constant 0 : i32
      %dma_start3A_41 = arith.constant 0 : i32
      %dma_start3A_42 = tpu.memref_slice %arg8[%dma_start3A_40, %dma_start3A_41] : memref<10112x8xf32, #tpu.memory_space<vmem_shared>> -> memref<10112x8xf32, #tpu.memory_space<vmem_shared>>
      tpu.enqueue_indirect_dma source(%arg7 : memref<128x8xf32, #tpu.memory_space<vmem>>) target(%dma_start3A_42 : memref<10112x8xf32, #tpu.memory_space<vmem_shared>>) offsets(%dma_start3A_39 : memref<128xi32, #tpu.memory_space<vmem>>) semaphore(%arg9 : memref<!tpu.dma_semaphore, #tpu.memory_space<semaphore_mem>>) {add = true}
      %add3A_43 = arith.constant 4 : i32
      %add3A_44 = arith.addi %mul3A_11, %add3A_43 : i32
      %dma_start3A_45 = arith.constant 0 : i32
      %dma_start3A_46 = tpu.memref_slice %arg6[%add3A_44, %dma_start3A_45] : memref<80x128xi32, #tpu.memory_space<vmem>> -> memref<1x128xi32, #tpu.memory_space<vmem>>
      %dma_start3A_47 = tpu.memref_squeeze %dma_start3A_46 : memref<1x128xi32, #tpu.memory_space<vmem>> -> memref<128xi32, #tpu.memory_space<vmem>>
      %dma_start3A_48 = arith.constant 0 : i32
      %dma_start3A_49 = arith.constant 0 : i32
      %dma_start3A_50 = tpu.memref_slice %arg8[%dma_start3A_48, %dma_start3A_49] : memref<10112x8xf32, #tpu.memory_space<vmem_shared>> -> memref<10112x8xf32, #tpu.memory_space<vmem_shared>>
      tpu.enqueue_indirect_dma source(%arg7 : memref<128x8xf32, #tpu.memory_space<vmem>>) target(%dma_start3A_50 : memref<10112x8xf32, #tpu.memory_space<vmem_shared>>) offsets(%dma_start3A_47 : memref<128xi32, #tpu.memory_space<vmem>>) semaphore(%arg9 : memref<!tpu.dma_semaphore, #tpu.memory_space<semaphore_mem>>) {add = true}
      %add3A_51 = arith.constant 5 : i32
      %add3A_52 = arith.addi %mul3A_11, %add3A_51 : i32
      %dma_start3A_53 = arith.constant 0 : i32
      %dma_start3A_54 = tpu.memref_slice %arg6[%add3A_52, %dma_start3A_53] : memref<80x128xi32, #tpu.memory_space<vmem>> -> memref<1x128xi32, #tpu.memory_space<vmem>>
      %dma_start3A_55 = tpu.memref_squeeze %dma_start3A_54 : memref<1x128xi32, #tpu.memory_space<vmem>> -> memref<128xi32, #tpu.memory_space<vmem>>
      %dma_start3A_56 = arith.constant 0 : i32
      %dma_start3A_57 = arith.constant 0 : i32
      %dma_start3A_58 = tpu.memref_slice %arg8[%dma_start3A_56, %dma_start3A_57] : memref<10112x8xf32, #tpu.memory_space<vmem_shared>> -> memref<10112x8xf32, #tpu.memory_space<vmem_shared>>
      tpu.enqueue_indirect_dma source(%arg7 : memref<128x8xf32, #tpu.memory_space<vmem>>) target(%dma_start3A_58 : memref<10112x8xf32, #tpu.memory_space<vmem_shared>>) offsets(%dma_start3A_55 : memref<128xi32, #tpu.memory_space<vmem>>) semaphore(%arg9 : memref<!tpu.dma_semaphore, #tpu.memory_space<semaphore_mem>>) {add = true}
      %add3A_59 = arith.constant 6 : i32
      %add3A_60 = arith.addi %mul3A_11, %add3A_59 : i32
      %dma_start3A_61 = arith.constant 0 : i32
      %dma_start3A_62 = tpu.memref_slice %arg6[%add3A_60, %dma_start3A_61] : memref<80x128xi32, #tpu.memory_space<vmem>> -> memref<1x128xi32, #tpu.memory_space<vmem>>
      %dma_start3A_63 = tpu.memref_squeeze %dma_start3A_62 : memref<1x128xi32, #tpu.memory_space<vmem>> -> memref<128xi32, #tpu.memory_space<vmem>>
      %dma_start3A_64 = arith.constant 0 : i32
      %dma_start3A_65 = arith.constant 0 : i32
      %dma_start3A_66 = tpu.memref_slice %arg8[%dma_start3A_64, %dma_start3A_65] : memref<10112x8xf32, #tpu.memory_space<vmem_shared>> -> memref<10112x8xf32, #tpu.memory_space<vmem_shared>>
      tpu.enqueue_indirect_dma source(%arg7 : memref<128x8xf32, #tpu.memory_space<vmem>>) target(%dma_start3A_66 : memref<10112x8xf32, #tpu.memory_space<vmem_shared>>) offsets(%dma_start3A_63 : memref<128xi32, #tpu.memory_space<vmem>>) semaphore(%arg9 : memref<!tpu.dma_semaphore, #tpu.memory_space<semaphore_mem>>) {add = true}
      %add3A_67 = arith.constant 7 : i32
      %add3A_68 = arith.addi %mul3A_11, %add3A_67 : i32
      %dma_start3A_69 = arith.constant 0 : i32
      %dma_start3A_70 = tpu.memref_slice %arg6[%add3A_68, %dma_start3A_69] : memref<80x128xi32, #tpu.memory_space<vmem>> -> memref<1x128xi32, #tpu.memory_space<vmem>>
      %dma_start3A_71 = tpu.memref_squeeze %dma_start3A_70 : memref<1x128xi32, #tpu.memory_space<vmem>> -> memref<128xi32, #tpu.memory_space<vmem>>
      %dma_start3A_72 = arith.constant 0 : i32
      %dma_start3A_73 = arith.constant 0 : i32
      %dma_start3A_74 = tpu.memref_slice %arg8[%dma_start3A_72, %dma_start3A_73] : memref<10112x8xf32, #tpu.memory_space<vmem_shared>> -> memref<10112x8xf32, #tpu.memory_space<vmem_shared>>
      tpu.enqueue_indirect_dma source(%arg7 : memref<128x8xf32, #tpu.memory_space<vmem>>) target(%dma_start3A_74 : memref<10112x8xf32, #tpu.memory_space<vmem_shared>>) offsets(%dma_start3A_71 : memref<128xi32, #tpu.memory_space<vmem>>) semaphore(%arg9 : memref<!tpu.dma_semaphore, #tpu.memory_space<semaphore_mem>>) {add = true}
      %add3A_75 = arith.constant 0 : i32
      %add3A_76 = arith.addi %mul3A_11, %add3A_75 : i32
      %dma_wait3A = arith.constant 0 : i32
      %dma_wait3A_77 = tpu.memref_slice %arg6[%add3A_76, %dma_wait3A] : memref<80x128xi32, #tpu.memory_space<vmem>> -> memref<1x128xi32, #tpu.memory_space<vmem>>
      %dma_wait3A_78 = tpu.memref_squeeze %dma_wait3A_77 : memref<1x128xi32, #tpu.memory_space<vmem>> -> memref<128xi32, #tpu.memory_space<vmem>>
      %dma_wait3A_79 = arith.constant 0 : i32
      %dma_wait3A_80 = arith.constant 0 : i32
      %dma_wait3A_81 = tpu.memref_slice %arg8[%dma_wait3A_79, %dma_wait3A_80] : memref<10112x8xf32, #tpu.memory_space<vmem_shared>> -> memref<10112x8xf32, #tpu.memory_space<vmem_shared>>
      tpu.wait_indirect_dma semaphore(%arg9 : memref<!tpu.dma_semaphore, #tpu.memory_space<semaphore_mem>>) src(%arg7 : memref<128x8xf32, #tpu.memory_space<vmem>>) dst(%dma_wait3A_81 : memref<10112x8xf32, #tpu.memory_space<vmem_shared>>)
      %add3A_82 = arith.constant 1 : i32
      %add3A_83 = arith.addi %mul3A_11, %add3A_82 : i32
      %dma_wait3A_84 = arith.constant 0 : i32
      %dma_wait3A_85 = tpu.memref_slice %arg6[%add3A_83, %dma_wait3A_84] : memref<80x128xi32, #tpu.memory_space<vmem>> -> memref<1x128xi32, #tpu.memory_space<vmem>>
      %dma_wait3A_86 = tpu.memref_squeeze %dma_wait3A_85 : memref<1x128xi32, #tpu.memory_space<vmem>> -> memref<128xi32, #tpu.memory_space<vmem>>
      %dma_wait3A_87 = arith.constant 0 : i32
      %dma_wait3A_88 = arith.constant 0 : i32
      %dma_wait3A_89 = tpu.memref_slice %arg8[%dma_wait3A_87, %dma_wait3A_88] : memref<10112x8xf32, #tpu.memory_space<vmem_shared>> -> memref<10112x8xf32, #tpu.memory_space<vmem_shared>>
      tpu.wait_indirect_dma semaphore(%arg9 : memref<!tpu.dma_semaphore, #tpu.memory_space<semaphore_mem>>) src(%arg7 : memref<128x8xf32, #tpu.memory_space<vmem>>) dst(%dma_wait3A_89 : memref<10112x8xf32, #tpu.memory_space<vmem_shared>>)
      %add3A_90 = arith.constant 2 : i32
      %add3A_91 = arith.addi %mul3A_11, %add3A_90 : i32
      %dma_wait3A_92 = arith.constant 0 : i32
      %dma_wait3A_93 = tpu.memref_slice %arg6[%add3A_91, %dma_wait3A_92] : memref<80x128xi32, #tpu.memory_space<vmem>> -> memref<1x128xi32, #tpu.memory_space<vmem>>
      %dma_wait3A_94 = tpu.memref_squeeze %dma_wait3A_93 : memref<1x128xi32, #tpu.memory_space<vmem>> -> memref<128xi32, #tpu.memory_space<vmem>>
      %dma_wait3A_95 = arith.constant 0 : i32
      %dma_wait3A_96 = arith.constant 0 : i32
      %dma_wait3A_97 = tpu.memref_slice %arg8[%dma_wait3A_95, %dma_wait3A_96] : memref<10112x8xf32, #tpu.memory_space<vmem_shared>> -> memref<10112x8xf32, #tpu.memory_space<vmem_shared>>
      tpu.wait_indirect_dma semaphore(%arg9 : memref<!tpu.dma_semaphore, #tpu.memory_space<semaphore_mem>>) src(%arg7 : memref<128x8xf32, #tpu.memory_space<vmem>>) dst(%dma_wait3A_97 : memref<10112x8xf32, #tpu.memory_space<vmem_shared>>)
      %add3A_98 = arith.constant 3 : i32
      %add3A_99 = arith.addi %mul3A_11, %add3A_98 : i32
      %dma_wait3A_100 = arith.constant 0 : i32
      %dma_wait3A_101 = tpu.memref_slice %arg6[%add3A_99, %dma_wait3A_100] : memref<80x128xi32, #tpu.memory_space<vmem>> -> memref<1x128xi32, #tpu.memory_space<vmem>>
      %dma_wait3A_102 = tpu.memref_squeeze %dma_wait3A_101 : memref<1x128xi32, #tpu.memory_space<vmem>> -> memref<128xi32, #tpu.memory_space<vmem>>
      %dma_wait3A_103 = arith.constant 0 : i32
      %dma_wait3A_104 = arith.constant 0 : i32
      %dma_wait3A_105 = tpu.memref_slice %arg8[%dma_wait3A_103, %dma_wait3A_104] : memref<10112x8xf32, #tpu.memory_space<vmem_shared>> -> memref<10112x8xf32, #tpu.memory_space<vmem_shared>>
      tpu.wait_indirect_dma semaphore(%arg9 : memref<!tpu.dma_semaphore, #tpu.memory_space<semaphore_mem>>) src(%arg7 : memref<128x8xf32, #tpu.memory_space<vmem>>) dst(%dma_wait3A_105 : memref<10112x8xf32, #tpu.memory_space<vmem_shared>>)
      %add3A_106 = arith.constant 4 : i32
      %add3A_107 = arith.addi %mul3A_11, %add3A_106 : i32
      %dma_wait3A_108 = arith.constant 0 : i32
      %dma_wait3A_109 = tpu.memref_slice %arg6[%add3A_107, %dma_wait3A_108] : memref<80x128xi32, #tpu.memory_space<vmem>> -> memref<1x128xi32, #tpu.memory_space<vmem>>
      %dma_wait3A_110 = tpu.memref_squeeze %dma_wait3A_109 : memref<1x128xi32, #tpu.memory_space<vmem>> -> memref<128xi32, #tpu.memory_space<vmem>>
      %dma_wait3A_111 = arith.constant 0 : i32
      %dma_wait3A_112 = arith.constant 0 : i32
      %dma_wait3A_113 = tpu.memref_slice %arg8[%dma_wait3A_111, %dma_wait3A_112] : memref<10112x8xf32, #tpu.memory_space<vmem_shared>> -> memref<10112x8xf32, #tpu.memory_space<vmem_shared>>
      tpu.wait_indirect_dma semaphore(%arg9 : memref<!tpu.dma_semaphore, #tpu.memory_space<semaphore_mem>>) src(%arg7 : memref<128x8xf32, #tpu.memory_space<vmem>>) dst(%dma_wait3A_113 : memref<10112x8xf32, #tpu.memory_space<vmem_shared>>)
      %add3A_114 = arith.constant 5 : i32
      %add3A_115 = arith.addi %mul3A_11, %add3A_114 : i32
      %dma_wait3A_116 = arith.constant 0 : i32
      %dma_wait3A_117 = tpu.memref_slice %arg6[%add3A_115, %dma_wait3A_116] : memref<80x128xi32, #tpu.memory_space<vmem>> -> memref<1x128xi32, #tpu.memory_space<vmem>>
      %dma_wait3A_118 = tpu.memref_squeeze %dma_wait3A_117 : memref<1x128xi32, #tpu.memory_space<vmem>> -> memref<128xi32, #tpu.memory_space<vmem>>
      %dma_wait3A_119 = arith.constant 0 : i32
      %dma_wait3A_120 = arith.constant 0 : i32
      %dma_wait3A_121 = tpu.memref_slice %arg8[%dma_wait3A_119, %dma_wait3A_120] : memref<10112x8xf32, #tpu.memory_space<vmem_shared>> -> memref<10112x8xf32, #tpu.memory_space<vmem_shared>>
      tpu.wait_indirect_dma semaphore(%arg9 : memref<!tpu.dma_semaphore, #tpu.memory_space<semaphore_mem>>) src(%arg7 : memref<128x8xf32, #tpu.memory_space<vmem>>) dst(%dma_wait3A_121 : memref<10112x8xf32, #tpu.memory_space<vmem_shared>>)
      %add3A_122 = arith.constant 6 : i32
      %add3A_123 = arith.addi %mul3A_11, %add3A_122 : i32
      %dma_wait3A_124 = arith.constant 0 : i32
      %dma_wait3A_125 = tpu.memref_slice %arg6[%add3A_123, %dma_wait3A_124] : memref<80x128xi32, #tpu.memory_space<vmem>> -> memref<1x128xi32, #tpu.memory_space<vmem>>
      %dma_wait3A_126 = tpu.memref_squeeze %dma_wait3A_125 : memref<1x128xi32, #tpu.memory_space<vmem>> -> memref<128xi32, #tpu.memory_space<vmem>>
      %dma_wait3A_127 = arith.constant 0 : i32
      %dma_wait3A_128 = arith.constant 0 : i32
      %dma_wait3A_129 = tpu.memref_slice %arg8[%dma_wait3A_127, %dma_wait3A_128] : memref<10112x8xf32, #tpu.memory_space<vmem_shared>> -> memref<10112x8xf32, #tpu.memory_space<vmem_shared>>
      tpu.wait_indirect_dma semaphore(%arg9 : memref<!tpu.dma_semaphore, #tpu.memory_space<semaphore_mem>>) src(%arg7 : memref<128x8xf32, #tpu.memory_space<vmem>>) dst(%dma_wait3A_129 : memref<10112x8xf32, #tpu.memory_space<vmem_shared>>)
      %add3A_130 = arith.constant 7 : i32
      %add3A_131 = arith.addi %mul3A_11, %add3A_130 : i32
      %dma_wait3A_132 = arith.constant 0 : i32
      %dma_wait3A_133 = tpu.memref_slice %arg6[%add3A_131, %dma_wait3A_132] : memref<80x128xi32, #tpu.memory_space<vmem>> -> memref<1x128xi32, #tpu.memory_space<vmem>>
      %dma_wait3A_134 = tpu.memref_squeeze %dma_wait3A_133 : memref<1x128xi32, #tpu.memory_space<vmem>> -> memref<128xi32, #tpu.memory_space<vmem>>
      %dma_wait3A_135 = arith.constant 0 : i32
      %dma_wait3A_136 = arith.constant 0 : i32
      %dma_wait3A_137 = tpu.memref_slice %arg8[%dma_wait3A_135, %dma_wait3A_136] : memref<10112x8xf32, #tpu.memory_space<vmem_shared>> -> memref<10112x8xf32, #tpu.memory_space<vmem_shared>>
      tpu.wait_indirect_dma semaphore(%arg9 : memref<!tpu.dma_semaphore, #tpu.memory_space<semaphore_mem>>) src(%arg7 : memref<128x8xf32, #tpu.memory_space<vmem>>) dst(%dma_wait3A_137 : memref<10112x8xf32, #tpu.memory_space<vmem_shared>>)
    }
    %scan3A_7 = arith.constant 10 : i32
    %barrier3A_8 = arith.constant 0 : index
    tpu.barrier barrier_id(%barrier3A_8)
    "tpu.region"() ({
      %run_scoped3A = tpu.sem_alloc : memref<!tpu.dma_semaphore, #tpu.memory_space<semaphore_mem>>
      %dma_start3A = arith.constant 0 : i32
      %dma_start3A_9 = tpu.memref_slice %arg5[%arg0, %mul3A_2, %dma_start3A] : memref<2x10112x8xf32, #tpu.memory_space<hbm>> -> memref<1x632x8xf32, #tpu.memory_space<hbm>>
      %dma_start3A_10 = tpu.memref_squeeze %dma_start3A_9 : memref<1x632x8xf32, #tpu.memory_space<hbm>> -> memref<632x8xf32, #tpu.memory_space<hbm>>
      %dma_start3A_11 = arith.constant 0 : i32
      %dma_start3A_12 = tpu.memref_slice %arg8[%mul3A_2, %dma_start3A_11] : memref<10112x8xf32, #tpu.memory_space<vmem_shared>> -> memref<632x8xf32, #tpu.memory_space<vmem_shared>>
      tpu.enqueue_dma source(%dma_start3A_12 : memref<632x8xf32, #tpu.memory_space<vmem_shared>>) target(%dma_start3A_10 : memref<632x8xf32, #tpu.memory_space<hbm>>) target_semaphore(%run_scoped3A : memref<!tpu.dma_semaphore, #tpu.memory_space<semaphore_mem>>)
      %dma_wait3A = arith.constant 0 : i32
      %dma_wait3A_13 = tpu.memref_slice %arg5[%arg0, %mul3A_2, %dma_wait3A] : memref<2x10112x8xf32, #tpu.memory_space<hbm>> -> memref<1x632x8xf32, #tpu.memory_space<hbm>>
      %dma_wait3A_14 = tpu.memref_squeeze %dma_wait3A_13 : memref<1x632x8xf32, #tpu.memory_space<hbm>> -> memref<632x8xf32, #tpu.memory_space<hbm>>
      %dma_wait3A_15 = arith.constant 0 : i32
      %dma_wait3A_16 = tpu.memref_slice %arg8[%mul3A_2, %dma_wait3A_15] : memref<10112x8xf32, #tpu.memory_space<vmem_shared>> -> memref<632x8xf32, #tpu.memory_space<vmem_shared>>
      tpu.wait_dma2 semaphore(%run_scoped3A : memref<!tpu.dma_semaphore, #tpu.memory_space<semaphore_mem>>) src(%dma_wait3A_16 : memref<632x8xf32, #tpu.memory_space<vmem_shared>>) dst(%dma_wait3A_14 : memref<632x8xf32, #tpu.memory_space<hbm>>)
      tpu.yield
    }) : () -> ()
    return
  }
}

module attributes {stable_mosaic.version = 14 : i64} {
  func.func @_tc_transform_body(%arg0: memref<10000x128xf32, #tpu.memory_space<vmem>>, %arg1: memref<128x64xf32, #tpu.memory_space<vmem>>, %arg2: memref<2x10112x8xf32, #tpu.memory_space<vmem>>, %arg3: memref<10112x64xf32, #tpu.memory_space<vmem>>, %arg4: memref<10112x8xf32, #tpu.memory_space<vmem>>) attributes {dimension_semantics = [], scalar_prefetch = 0 : i64, scratch_operands = 0 : i64, tpu.core_type = #tpu.core_type<tc>} {
    %get3A = arith.constant 0 : index
    %get3A_0 = arith.constant 0 : index
    %get3A_1 = arith.constant 0 : index
    %get3A_2 = vector.load %arg2[%get3A, %get3A_0, %get3A_1] : memref<2x10112x8xf32, #tpu.memory_space<vmem>>, vector<1x10112x8xf32>
    %get3A_3 = vector.shape_cast %get3A_2 : vector<1x10112x8xf32> to vector<10112x8xf32>
    %get3A_4 = arith.constant 1 : index
    %get3A_5 = arith.constant 0 : index
    %get3A_6 = arith.constant 0 : index
    %get3A_7 = vector.load %arg2[%get3A_4, %get3A_5, %get3A_6] : memref<2x10112x8xf32, #tpu.memory_space<vmem>>, vector<1x10112x8xf32>
    %get3A_8 = vector.shape_cast %get3A_7 : vector<1x10112x8xf32> to vector<10112x8xf32>
    %add3A = arith.addf %get3A_3, %get3A_8 : vector<10112x8xf32>
    %add3A_9 = arith.constant 1.000000e+00 : f32
    %add3A_10 = vector.broadcast %add3A_9 : f32 to vector<10112x8xf32>
    %add3A_11 = arith.addf %add3A, %add3A_10 : vector<10112x8xf32>
    %rsqrt3A = math.rsqrt %add3A_11 : vector<10112x8xf32>
    %swap3A = arith.constant 0 : index
    %swap3A_12 = arith.constant 0 : index
    %swap3A_13 = vector.load %arg4[%swap3A, %swap3A_12] : memref<10112x8xf32, #tpu.memory_space<vmem>>, vector<10112x8xf32>
    tpu.vector_store %arg4[%swap3A, %swap3A_12], %rsqrt3A {strides = array<i32>} : memref<10112x8xf32, #tpu.memory_space<vmem>>, vector<10112x8xf32>,
    %get3A_14 = arith.constant 0 : index
    %get3A_15 = arith.constant 0 : index
    %get3A_16 = vector.load %arg0[%get3A_14, %get3A_15] : memref<10000x128xf32, #tpu.memory_space<vmem>>, vector<10000x128xf32>
    %get3A_17 = arith.constant 0 : index
    %get3A_18 = arith.constant 0 : index
    %get3A_19 = vector.load %arg1[%get3A_17, %get3A_18] : memref<128x64xf32, #tpu.memory_space<vmem>>, vector<128x64xf32>
    %dot_general3A = arith.constant dense<0.000000e+00> : vector<10000x64xf32>
    %dot_general3A_20 = tpu.matmul %get3A_16, %get3A_19, %dot_general3A {dimension_numbers = #tpu.dot_dimension_numbers<[1], [0], [0], [1], [0, 0, 1, 1], [], []>, transpose_lhs_hint = false} : vector<10000x128xf32>, vector<128x64xf32>, vector<10000x64xf32> -> vector<10000x64xf32>
    %slice3A = vector.extract_strided_slice %rsqrt3A {offsets = [0, 0], sizes = [10000, 1], strides = [1, 1]} : vector<10112x8xf32> to vector<10000x1xf32>
    %mul3A = vector.broadcast %slice3A : vector<10000x1xf32> to vector<10000x64xf32>
    %mul3A_21 = arith.mulf %dot_general3A_20, %mul3A : vector<10000x64xf32>
    %swap3A_22 = arith.constant 0 : index
    %swap3A_23 = arith.constant 0 : index
    %swap3A_24 = vector.load %arg3[%swap3A_22, %swap3A_23] : memref<10112x64xf32, #tpu.memory_space<vmem>>, vector<10000x64xf32>
    tpu.vector_store %arg3[%swap3A_22, %swap3A_23], %mul3A_21 {strides = array<i32>} : memref<10112x64xf32, #tpu.memory_space<vmem>>, vector<10000x64xf32>,
    %broadcast_in_dim3A = arith.constant 0.000000e+00 : f32
    %broadcast_in_dim3A_25 = vector.broadcast %broadcast_in_dim3A : f32 to vector<112x64xf32>
    %swap3A_26 = arith.constant 10000 : index
    %swap3A_27 = arith.constant 0 : index
    %swap3A_28 = vector.load %arg3[%swap3A_26, %swap3A_27] : memref<10112x64xf32, #tpu.memory_space<vmem>>, vector<112x64xf32>
    tpu.vector_store %arg3[%swap3A_26, %swap3A_27], %broadcast_in_dim3A_25 {strides = array<i32>} : memref<10112x64xf32, #tpu.memory_space<vmem>>, vector<112x64xf32>,
    return
  }
}

module attributes {stable_mosaic.version = 14 : i64} {
  func.func @_tc_finalize_body(%arg0: memref<2x10112x64xf32, #tpu.memory_space<vmem>>, %arg1: memref<10112x64xf32, #tpu.memory_space<vmem>>, %arg2: memref<10112x8xf32, #tpu.memory_space<vmem>>, %arg3: memref<1x64xf32, #tpu.memory_space<vmem>>, %arg4: memref<10000x64xf32, #tpu.memory_space<vmem>>) attributes {dimension_semantics = [], scalar_prefetch = 0 : i64, scratch_operands = 0 : i64, tpu.core_type = #tpu.core_type<tc>} {
    %get3A = arith.constant 0 : index
    %get3A_0 = arith.constant 0 : index
    %get3A_1 = arith.constant 0 : index
    %get3A_2 = vector.load %arg0[%get3A, %get3A_0, %get3A_1] : memref<2x10112x64xf32, #tpu.memory_space<vmem>>, vector<1x10000x64xf32>
    %get3A_3 = vector.shape_cast %get3A_2 : vector<1x10000x64xf32> to vector<10000x64xf32>
    %get3A_4 = arith.constant 1 : index
    %get3A_5 = arith.constant 0 : index
    %get3A_6 = arith.constant 0 : index
    %get3A_7 = vector.load %arg0[%get3A_4, %get3A_5, %get3A_6] : memref<2x10112x64xf32, #tpu.memory_space<vmem>>, vector<1x10000x64xf32>
    %get3A_8 = vector.shape_cast %get3A_7 : vector<1x10000x64xf32> to vector<10000x64xf32>
    %add3A = arith.addf %get3A_3, %get3A_8 : vector<10000x64xf32>
    %get3A_9 = arith.constant 0 : index
    %get3A_10 = arith.constant 0 : index
    %get3A_11 = vector.load %arg1[%get3A_9, %get3A_10] : memref<10112x64xf32, #tpu.memory_space<vmem>>, vector<10000x64xf32>
    %sub3A = arith.subf %add3A, %get3A_11 : vector<10000x64xf32>
    %get3A_12 = arith.constant 0 : index
    %get3A_13 = arith.constant 0 : index
    %get3A_14 = vector.load %arg2[%get3A_12, %get3A_13] : memref<10112x8xf32, #tpu.memory_space<vmem>>, vector<10000x1xf32>
    %mul3A = vector.broadcast %get3A_14 : vector<10000x1xf32> to vector<10000x64xf32>
    %mul3A_15 = arith.mulf %sub3A, %mul3A : vector<10000x64xf32>
    %get3A_16 = arith.constant 0 : index
    %get3A_17 = arith.constant 0 : index
    %get3A_18 = vector.load %arg3[%get3A_16, %get3A_17] : memref<1x64xf32, #tpu.memory_space<vmem>>, vector<1x64xf32>
    %add3A_19 = vector.broadcast %get3A_18 : vector<1x64xf32> to vector<10000x64xf32>
    %add3A_20 = arith.addf %mul3A_15, %add3A_19 : vector<10000x64xf32>
    %swap3A = arith.constant 0 : index
    %swap3A_21 = arith.constant 0 : index
    %swap3A_22 = vector.load %arg4[%swap3A, %swap3A_21] : memref<10000x64xf32, #tpu.memory_space<vmem>>, vector<10000x64xf32>
    tpu.vector_store %arg4[%swap3A, %swap3A_21], %add3A_20 {strides = array<i32>} : memref<10000x64xf32, #tpu.memory_space<vmem>>, vector<10000x64xf32>,
    return
  }
}

</mosaic_0001>

<sc_bundles>
// kernel: kernel.6.cloned.1.call-start
scs
__scs_entry_jumppad:
0x0: {  	(pc) =	sbr.rel $0x88, $3  }
0x1: {  	(tag) =	ssettag $0x0;
	lr =	simm.s32 $0x1  }
0x2: {  	[smem:$0x3F9D] =	sst lr;
	_ =	strace $0xD0000000  }
0x3: {  	_ = 	snop  }
0x4: {  	_ = 	snop  }
0x5: {  	_ = 	snop  }
0x6: {  	_ = 	snop  }
0x7: {  	_ = 	snop  }
__scs_overlays_trampoline_lowered:
0x8: {  	[smem:$0x3FAC] =	sst s0  }
0x9: {  	[smem:$0x3FAD] =	sst s1  }
0xa: {  	[smem:$0x3FAE] =	sst s2  }
0xb: {  	[smem:$0x3FAF] =	sst s3  }
0xc: {  	[smem:$0x3FB0] =	sst s4  }
0xd: {  	[smem:$0x3FB1] =	sst s5  }
0xe: {  	[smem:$0x3FB2] =	sst s6  }
0xf: {  	[smem:$0x3FB3] =	sst s7  }
0x10: {  	[smem:$0x3FB4] =	sst s8  }
0x11: {  	[smem:$0x3FB5] =	sst s9;
	s0 =	simm.s32 @!p0 $0x0  }
0x12: {  	s1 =	sld [smem:$0x3F9B];
	s0 =	simm.s32 @p0 $0x1  }
0x13: {  	[smem:$0x3FB6] =	sst s0;
	s0 =	simm.s32 @!p1 $0x0  }
0x14: {  	s2 =	sld [smem:$0x3F9A];
	s0 =	simm.s32 @p1 $0x1  }
0x15: {  	[smem:$0x3FB7] =	sst s0;
	s0 =	simm.s32 @!p2 $0x0  }
0x16: {  	s3 =	sld [smem:$0x3FDB];
	s0 =	simm.s32 @p2 $0x1  }
0x17: {  	s4 =	simm.s32 $0x1BF5;
	[smem:$0x3FB9] =	sst s0  }
0x18: {  	s0 =	sld [smem:$0x3F9C];
	_ =	swait.ge [sflag:s4], $0x0  }
0x19: {  	s7 =	sld [smem:$0x3F9D]  }
0x1a: {  	s8 =	sadd.s32 $0xFFFFE003, lr  }
0x1b: {  	s9 =	sadd.s32 $0xFFFFFEF7, lr;
	s5 =	simm.s32 $0xFFFFFFFF;
	p2 =	slt.u32 s8, $0xFFFFF086  }
0x1c: {  	p1 =	slt.u32 s9, $0xF7A;
	s5 =	simm.s32 @!p2 $0x0  }
0x1d: {  	s5 =	simm.s32 @p1 $0x1;
	p0 =	seq.s32 s7, s2  }
0x1e: {  	s7 =	smul.u32 @!p0 $0xF7A, s2;
	p2 =	seq.s32 @!p0 s5, $0x0  }
0x1f: {  	s9 =	smul.u32 $0xF7A, s1;
	s8 =	simm.s32 @!p0 $0x1BF5;
	p2 =	por !p2, p0  }
0x20: {  	[sflag:s8] =	ssyncset.s32 @!p0 $0xFFFFF086;
	s6 =	sadd.s32 @!p0 s3, s7;
	s7 =	simm.s32 @!p0 $0x108  }
0x21: {  	s3 =	sadd.s32 s3, s9;
	s6 =	sadd.s32 @!p0 $0x88, s6;
	s7 =	simm.s32 @p2 $0x1082  }
0x22: {  	[simem:s7], [sflag:s8] =	dma.local @!p0 [hbm:s6], $0xF7A  }
0x23: {  	s9 =	sor.u32 $0xD0000000, s2;
	s6 =	simm.s32 $0x108;
	_ =	swait.ge @!p0 [sflag:s8], $0x0  }
0x24: {  	s3 =	sadd.s32 $0x88, s3;
	s6 =	simm.s32 @!p1 $0x1082;
	[sflag:s4] =	ssyncset.s32 $0xFFFFF086  }
0x25: {  	[simem:s6], [sflag:s4] =	dma.local [hbm:s3], $0xF7A  }
0x26: {  	[smem:$0x3F9D] =	sst s1;
	(tag) =	ssettag s2;
	_ =	strace s9  }
0x27: {  	s1 =	sld [smem:$0x3FAD]  }
0x28: {  	s2 =	sld [smem:$0x3FAE]  }
0x29: {  	s4 =	sld [smem:$0x3FB0]  }
0x2a: {  	p0 =	seq.s32 s5, $0x0;
	s5 =	sld [smem:$0x3FB1]  }
0x2b: {  	s6 =	sld [smem:$0x3FB2]  }
0x2c: {  	s7 =	sld [smem:$0x3FB3]  }
0x2d: {  	s3 =	simm.s32 $0x108;
	s8 =	sld [smem:$0x3FB4]  }
0x2e: {  	s3 =	simm.s32 @!p0 $0x1082;
	s9 =	sld [smem:$0x3FB5]  }
0x2f: {  	lr =	sadd.s32 s0, s3;
	s0 =	sld [smem:$0x3FAC]  }
0x30: {  	s3 =	sld [smem:$0x3FAF]  }
0x31: {  	[smem:$0x3FB8] =	sst s10  }
0x32: {  	s10 =	sld [smem:$0x3FB6];
	_ =	sdelay $0x3  }
0x33: {  	p0 =	seq.s32 s10, $0x1;
	s10 =	sld [smem:$0x3FB8];
	_ =	sdelay $0x3  }
0x34: {  	[smem:$0x3FB8] =	sst s10  }
0x35: {  	s10 =	sld [smem:$0x3FB7];
	_ =	sdelay $0x3  }
0x36: {  	p1 =	seq.s32 s10, $0x1;
	s10 =	sld [smem:$0x3FB8];
	_ =	sdelay $0x3  }
0x37: {  	[smem:$0x3FB8] =	sst s10  }
0x38: {  	s10 =	sld [smem:$0x3FB9]  }
0x39: {  	_ = 	snop;
	(pc) =	sbr.ind lr, $3  }
0x3a: {  	_ = 	snop  }
0x3b: {  	_ = 	snop  }
0x3c: {  	p2 =	seq.s32 s10, $0x1;
	s10 =	sld [smem:$0x3FB8]  }
0x3d: {  	_ =	shalt  }
0x3e: {  	_ =	shalt  }
0x3f: {  	_ =	shalt  }
0x40: {  	_ =	shalt  }
0x41: {  	_ =	shalt  }
0x42: {  	_ =	shalt  }
0x43: {  	_ =	shalt  }
0x44: {  	_ =	shalt  }
0x45: {  	_ =	shalt  }
0x46: {  	_ =	shalt  }
0x47: {  	_ =	shalt  }
0x48: {  	_ =	shalt  }
0x49: {  	_ =	shalt  }
0x4a: {  	_ =	shalt  }
0x4b: {  	_ =	shalt  }
0x4c: {  	_ =	shalt  }
0x4d: {  	_ =	shalt  }
0x4e: {  	_ =	shalt  }
0x4f: {  	_ =	shalt  }
0x50: {  	_ =	shalt  }
0x51: {  	_ =	shalt  }
0x52: {  	_ =	shalt  }
0x53: {  	_ =	shalt  }
0x54: {  	_ =	shalt  }
0x55: {  	_ =	shalt  }
0x56: {  	_ =	shalt  }
0x57: {  	_ =	shalt  }
0x58: {  	_ =	shalt  }
0x59: {  	_ =	shalt  }
0x5a: {  	_ =	shalt  }
0x5b: {  	_ =	shalt  }
0x5c: {  	_ =	shalt  }
0x5d: {  	_ =	shalt  }
0x5e: {  	_ =	shalt  }
0x5f: {  	_ =	shalt  }
0x60: {  	_ =	shalt  }
0x61: {  	_ =	shalt  }
0x62: {  	_ =	shalt  }
0x63: {  	_ =	shalt  }
0x64: {  	_ =	shalt  }
0x65: {  	_ =	shalt  }
0x66: {  	_ =	shalt  }
0x67: {  	_ =	shalt  }
0x68: {  	_ =	shalt  }
0x69: {  	_ =	shalt  }
0x6a: {  	_ =	shalt  }
0x6b: {  	_ =	shalt  }
0x6c: {  	_ =	shalt  }
0x6d: {  	_ =	shalt  }
0x6e: {  	_ =	shalt  }
0x6f: {  	_ =	shalt  }
0x70: {  	_ =	shalt  }
0x71: {  	_ =	shalt  }
0x72: {  	_ =	shalt  }
0x73: {  	_ =	shalt  }
0x74: {  	_ =	shalt  }
0x75: {  	_ =	shalt  }
0x76: {  	_ =	shalt  }
0x77: {  	_ =	shalt  }
0x78: {  	_ =	shalt  }
0x79: {  	_ =	shalt  }
0x7a: {  	_ =	shalt  }
0x7b: {  	_ =	shalt  }
0x7c: {  	_ =	shalt  }
0x7d: {  	_ =	shalt  }
0x7e: {  	_ =	shalt  }
0x7f: {  	_ =	shalt  }
0x80: {  	_ =	shalt  }
0x81: {  	_ =	shalt  }
0x82: {  	_ =	shalt  }
0x83: {  	_ =	shalt  }
0x84: {  	_ =	shalt  }
0x85: {  	_ =	shalt  }
0x86: {  	_ =	shalt  }
0x87: {  	_ =	shalt  }
.Lfunc_end0:
.L_simem_size_0:
called_computation_lowered:
.L_overlay_start_0:
0x88: {  	s2 =	sld [smem:$0x3FD9]  }
0x89: {  	s3 =	sld [smem:$0x3FFE];
	_ =	sdelay $0x1  }
0x8a: {  	s1 =	srdreg.scid  }
0x8b: {  	s0 =	sand.u32 $0x1, s1  }
0x8c: {  	s17 =	sshll.u32 s0, $0xA;
	s2 =	sadd.s32 s3, s2  }
0x8d: {  	s2 =	sadd.s32 s2, s17  }
0x8e: {  	[smem:$0x3FC4] =	sst s2  }
0x8f: {  	_ = 	snop  }
0x90: {  	s2 =	sld [smem:$0x3FD0];
	(tm) =	ssettm $0x1  }
0x91: {  	s18 =	sld [smem:$0x3FFB];
	_ =	sdelay $0x3  }
0x92: {  	_ =	strace s18  }
0x93: {  	s3 =	sld [smem:$0x3FFC];
	_ =	sdelay $0x3  }
0x94: {  	_ =	strace s3  }
0x95: {  	s3 =	sld [smem:$0x3FFD];
	_ =	sdelay $0x3  }
0x96: {  	_ =	strace s3  }
0x97: {  	_ =	strace $0x8FFFFFFF  }
0x98: {  	s19 =	sld [smem:$0x3FDB];
	_ =	sdelay $0x1  }
0x99: {  	s4 =	simm.s32 $_scs_section_size  }
0x9a: {  	s5 =	simm.s32 $_size__tile_overlayer_lowered;
	s6 =	simm.s32 $_tile_overlayer_lowered  }
0x9b: {  	s22 =	simm.s32 $0x1BFF;
	s21 =	sshll.u32 s6, $0x1;
	s3 =	sadd.s32 s4, s19  }
0x9c: {  	s7 =	simm.s32 $0x0;
	s20 =	sshll.u32 s5, $0x1;
	s5 =	sadd.s32 s21, s3  }
0x9d: {  	[timem:s7], [sflag:s22] =	dma.local [hbm:s5], s20  }
0x9e: {  	_ =	swait.ge [sflag:s22], s20  }
0x9f: {  	s4 =	ssub.s32 $0x0, s20;
	[sflag:s22] =	ssyncset.done $0x0  }
0xa0: {  	[sflag:s22] =	ssyncadd.s32 s4;
	_ =	sdelay $0x1  }
0xa1: {  	s23 =	simm.s32 $0x1B8B  }
0xa2: {  	_ =	swait.ge [sflag:s23], $0x1  }
0xa3: {  	[sflag:s23] =	ssyncset.done $0x0  }
0xa4: {  	s25 =	simm.s32 $0x1B8E;
	s24 =	sld [smem:$0x3FFE];
	[sflag:s23] =	ssyncadd.s32 $0xFFFFFFFF  }
0xa5: {  	s26 =	simm.s32 $execute0_lowered;
	[smem:$0x3FD2] =	sst s25  }
0xa6: {  	s5 =	sshll.u32 s26, $0x1;
	_ =	strace $0x80000046;
	[dreg:$0x1] =	wrdreg $0xFFFFFFFF  }
0xa7: {  	s28 =	simm.s32 $_size_execute0_lowered;
	s3 =	sadd.s32 s3, s5;
	[dreg:$0x0] =	wrdreg $0x0  }
0xa8: {  	s5 =	sshll.u32 s28, $0x1;
	[dreg:$0x2] =	wrdreg s3  }
0xa9: {  	[dreg:$0x3] =	wrdreg s5  }
0xaa: {  	[dreg:$0x4] =	wrdreg $0xC0  }
0xab: {  	_ =	task [dreg:s7], $0x5FFFF  }
0xac: {  	[dreg:$0x1] =	wrdreg $0xFFFFFFFF  }
0xad: {  	[dreg:$0x0] =	wrdreg $0x60  }
0xae: {  	[dreg:$0x2] =	wrdreg s24  }
0xaf: {  	[dreg:$0x3] =	wrdreg s2  }
0xb0: {  	[dreg:$0x4] =	wrdreg $0x2C000  }
0xb1: {  	[dreg:$0x5] =	wrdreg $0x9  }
0xb2: {  	_ =	task.clear_ibuf [dreg:s7], $0x6FFFF;
	_ =	strace $0x90000046  }
0xb3: {  	s29 =	simm.s32 $0x9;
	_ =	strace $0x80000048  }
0xb4: {  	_ =	swait.ge [sflag:s29], $0x1  }
0xb5: {  	[sflag:s29] =	ssyncadd.s32 $0xFFFFFFFF  }
0xb6: {  	_ =	strace $0x90000048  }
0xb7: {  	_ =	sfence  }
0xb8: {  	s30 =	sld [smem:$0x0];
	_ =	sdelay $0x2  }
0xb9: {  	s31 =	sshll.u32 s1, $0xD;
	s1 =	sshrl.u32 s1, $0x2  }
0xba: {  	s3 =	sand.u32 $0x4000, s31;
	s1 =	sadd.s32 s1, s30  }
0xbb: {  	s0 =	sor.u32 s3, s0;
	s1 =	sshll.u32 s1, $0x11  }
0xbc: {  	s0 =	sor.u32 s1, s0  }
0xbd: {  	s0 =	sadd.s32 $0x8F2B, s0  }
0xbe: {  	[sflag:s0] =	ssyncadd.remote.s32 $0x1  }
0xbf: {  	_ =	sfence.sel $0xFFFF  }
0xc0: {  	[dreg:$0x0] =	wrdreg $0xFFFFFFFF;
	(pc) =	sbr.abs _section_cstart, $3  }
0xc1: {  	[dreg:$0x1] =	wrdreg $0xFFFFFFFF  }
0xc2: {  	_ =	task.clear_ibuf [dreg:s7], $0x2FFFF;
	_ =	strace $0x9FFFFFFF  }
0xc3: {  	(tm) =	ssettm $0x7FFFFFFF  }
tec
execute0_lowered:
.L_overlay_start_1:
0x0: {  	(tag) =	ssettag $0x1  }
0x1: {  	s5 =	rddreg [dreg:$0x0];
	s1 =	srdreg.scid  }
0x2: {  	s0 =	stileid.u32;
	s8 =	rddreg [dreg:$0x1]  }
0x3: {  	s2 =	rddreg [dreg:$0x2];
	s3 =	simm.s32 $0x0;
	s13 =	simm.s32 $0x80  }
0x4: {  	s14 =	simm.s32 $0x1;
	s4 =	sand.u32 $0x1, s1;
	s1 =	rddreg [dreg:$0x3]  }
0x5: {  	s15 =	simm.s32 $0x0;
	s26 =	sshll.u32 s0, $0x1;
	[smem:$0x7FF] =	sst s3  }
0x6: {  	s7 =	smul.u32 $0x13C0, s0;
	s31 =	sshll.u32 s0, $0x6;
	s6 =	sor.u32 s4, s26  }
0x7: {  	_ =	strace $0x80000047;
	s28 =	ssub.s32 $0x2, s4;
	s12 =	smul.u32 $0x13C00, s4  }
0x8: {  	s4 =	sadd.s32 $0xAE00, s5;
	s6 =	smul.u32 $0x500, s6;
	s11 =	sshrl.u32 s28, $0x1  }
0x9: {  	s10 =	sshrl.u32 s7, $0x3;
	s30 =	sadd.s32 s7, s2;
	s29 =	ssub.s32 s28, s11  }
0xa: {  	s7 =	sadd.s32 s7, s12;
	s11 =	simm.s32 $0x2;
	s9 =	sadd.s32 s6, s5  }
0xb: {  	s5 =	sadd.s32 s10, s5;
	s6 =	sor.u32 $0x1C02, s31;
	s12 =	sshrl.u32 s7, $0x3  }
0xc: {  	s10 =	sshrl.u32 s30, $0x3;
	s5 =	sadd.s32 $0xB000, s5;
	s7 =	sadd.s32 $0xE00, s9  }
0xd: {  	s8 =	sadd.s32 s8, s12;
	s9 =	smax.u32 s29, $0x1;
	s12 =	simm.s32 $0x2800  }
.LBB2_1:
0xe: {  	[spmem:s10], [sflag:s6] =	dma.local [hbm:s5], $0x278  }
0xf: {  	_ =	swait.ge [sflag:s11], $0x278  }
0x10: {  	[sflag:s11] =	ssyncset.done $0x0  }
0x11: {  	[sflag:s11] =	ssyncadd.s32 $0xFFFFFD88  }
0x12: {  	[tilespmem:s3], [sflag:$0x2] =	stream.linear.gather [hbm4b:s7+s3], $0x2800, $0x38;
	[tilespmem:$0x3FC0] =	vst v63  }
0x13: {  	_ =	swait.ge [sflag:s11], $0x2800  }
0x14: {  	[sflag:s11] =	ssyncset.done $0x0  }
0x15: {  	[sflag:s11] =	ssyncadd.s32 $0xFFFFD800  }
0x16: {  	[tilespmem:s12], [sflag:$0x2] =	stream.linear.gather [hbm4b:s4+s3], $0x400, $0x38;
	[tilespmem:$0x3FC0] =	vst v63  }
0x17: {  	_ =	swait.ge [sflag:s11], $0x400  }
0x18: {  	[sflag:s11] =	ssyncset.done $0x0  }
0x19: {  	[sflag:s11] =	ssyncadd.s32 $0xFFFFFC00  }
0x1a: {  	s16 =	simm.s32 $0x0;
	[bflag:$0x0] =	sbarrier.arrive $0xFFFF  }
0x1b: {  	[spmem:s2] =	stream.indirect.scatter.add.f32 [tilespmem:s12], [sflag:$0x1], $0x8, s16, s13, $0xb8;
	[tilespmem:$0x3FC0] =	vst v63  }
0x1c: {  	s24 =	simm.s32 $0x80  }
0x1d: {  	[spmem:s2] =	stream.indirect.scatter.add.f32 [tilespmem:s12], [sflag:$0x1], $0x8, s24, s13, $0xb8;
	[tilespmem:$0x3FC0] =	vst v63  }
0x1e: {  	s25 =	simm.s32 $0x100  }
0x1f: {  	[spmem:s2] =	stream.indirect.scatter.add.f32 [tilespmem:s12], [sflag:$0x1], $0x8, s25, s13, $0xb8;
	[tilespmem:$0x3FC0] =	vst v63  }
0x20: {  	s26 =	simm.s32 $0x180  }
0x21: {  	[spmem:s2] =	stream.indirect.scatter.add.f32 [tilespmem:s12], [sflag:$0x1], $0x8, s26, s13, $0xb8;
	[tilespmem:$0x3FC0] =	vst v63  }
0x22: {  	s28 =	simm.s32 $0x200  }
0x23: {  	[spmem:s2] =	stream.indirect.scatter.add.f32 [tilespmem:s12], [sflag:$0x1], $0x8, s28, s13, $0xb8;
	[tilespmem:$0x3FC0] =	vst v63  }
0x24: {  	s29 =	simm.s32 $0x280  }
0x25: {  	[spmem:s2] =	stream.indirect.scatter.add.f32 [tilespmem:s12], [sflag:$0x1], $0x8, s29, s13, $0xb8;
	[tilespmem:$0x3FC0] =	vst v63  }
0x26: {  	s30 =	simm.s32 $0x300  }
0x27: {  	[spmem:s2] =	stream.indirect.scatter.add.f32 [tilespmem:s12], [sflag:$0x1], $0x8, s30, s13, $0xb8;
	[tilespmem:$0x3FC0] =	vst v63  }
0x28: {  	s31 =	simm.s32 $0x380  }
0x29: {  	[spmem:s2] =	stream.indirect.scatter.add.f32 [tilespmem:s12], [sflag:$0x1], $0x8, s31, s13, $0xb8;
	[tilespmem:$0x3FC0] =	vst v63  }
0x2a: {  	_ =	swait.ge [sflag:s14], $0x400  }
0x2b: {  	[sflag:s14] =	ssyncset.done $0x0  }
0x2c: {  	[sflag:s14] =	ssyncadd.s32 $0xFFFFFC00  }
0x2d: {  	_ =	swait.ge [sflag:s14], $0x400  }
0x2e: {  	[sflag:s14] =	ssyncset.done $0x0  }
0x2f: {  	[sflag:s14] =	ssyncadd.s32 $0xFFFFFC00  }
0x30: {  	_ =	swait.ge [sflag:s14], $0x400  }
0x31: {  	[sflag:s14] =	ssyncset.done $0x0  }
0x32: {  	[sflag:s14] =	ssyncadd.s32 $0xFFFFFC00  }
0x33: {  	_ =	swait.ge [sflag:s14], $0x400  }
0x34: {  	[sflag:s14] =	ssyncset.done $0x0  }
0x35: {  	[sflag:s14] =	ssyncadd.s32 $0xFFFFFC00  }
0x36: {  	_ =	swait.ge [sflag:s14], $0x400  }
0x37: {  	[sflag:s14] =	ssyncset.done $0x0  }
0x38: {  	[sflag:s14] =	ssyncadd.s32 $0xFFFFFC00  }
0x39: {  	_ =	swait.ge [sflag:s14], $0x400  }
0x3a: {  	[sflag:s14] =	ssyncset.done $0x0  }
0x3b: {  	[sflag:s14] =	ssyncadd.s32 $0xFFFFFC00  }
0x3c: {  	_ =	swait.ge [sflag:s14], $0x400  }
0x3d: {  	[sflag:s14] =	ssyncset.done $0x0  }
0x3e: {  	[sflag:s14] =	ssyncadd.s32 $0xFFFFFC00  }
0x3f: {  	_ =	swait.ge [sflag:s14], $0x400  }
0x40: {  	s18 =	simm.s32 $0x2000;
	s16 =	simm.s32 $0x1000;
	[sflag:s14] =	ssyncset.done $0x0  }
.LBB2_2:
0x41: {  	s19 =	sshra.s32 s16, $0x2  }
0x42: {  	[sflag:s14] =	ssyncadd.s32 $0xFFFFFC00;
	s16 =	smov.u32 s18;
	s17 =	sadd.s32 $0x1000, s18  }
0x43: {  	[spmem:s2] =	stream.indirect.scatter.add.f32 [tilespmem:s12], [sflag:$0x1], $0x8, s19, s13, $0xb8;
	[tilespmem:$0x3FC0] =	vst v63  }
0x44: {  	p0 =	sne.s32 s18, $0x9000;
	s18 =	sadd.s32 $0x80, s19  }
0x45: {  	[spmem:s2] =	stream.indirect.scatter.add.f32 [tilespmem:s12], [sflag:$0x1], $0x8, s18, s13, $0xb8;
	[tilespmem:$0x3FC0] =	vst v63  }
0x46: {  	s18 =	sadd.s32 $0x100, s19  }
0x47: {  	[spmem:s2] =	stream.indirect.scatter.add.f32 [tilespmem:s12], [sflag:$0x1], $0x8, s18, s13, $0xb8;
	[tilespmem:$0x3FC0] =	vst v63  }
0x48: {  	s18 =	sadd.s32 $0x180, s19  }
0x49: {  	[spmem:s2] =	stream.indirect.scatter.add.f32 [tilespmem:s12], [sflag:$0x1], $0x8, s18, s13, $0xb8;
	[tilespmem:$0x3FC0] =	vst v63  }
0x4a: {  	s18 =	sadd.s32 $0x200, s19  }
0x4b: {  	[spmem:s2] =	stream.indirect.scatter.add.f32 [tilespmem:s12], [sflag:$0x1], $0x8, s18, s13, $0xb8;
	[tilespmem:$0x3FC0] =	vst v63  }
0x4c: {  	s18 =	sadd.s32 $0x280, s19  }
0x4d: {  	[spmem:s2] =	stream.indirect.scatter.add.f32 [tilespmem:s12], [sflag:$0x1], $0x8, s18, s13, $0xb8;
	[tilespmem:$0x3FC0] =	vst v63  }
0x4e: {  	s18 =	sadd.s32 $0x300, s19  }
0x4f: {  	[spmem:s2] =	stream.indirect.scatter.add.f32 [tilespmem:s12], [sflag:$0x1], $0x8, s18, s13, $0xb8;
	[tilespmem:$0x3FC0] =	vst v63  }
0x50: {  	s18 =	sadd.s32 $0x380, s19  }
0x51: {  	[spmem:s2] =	stream.indirect.scatter.add.f32 [tilespmem:s12], [sflag:$0x1], $0x8, s18, s13, $0xb8;
	[tilespmem:$0x3FC0] =	vst v63  }
0x52: {  	_ =	swait.ge [sflag:s14], $0x400  }
0x53: {  	[sflag:s14] =	ssyncset.done $0x0  }
0x54: {  	[sflag:s14] =	ssyncadd.s32 $0xFFFFFC00  }
0x55: {  	_ =	swait.ge [sflag:s14], $0x400  }
0x56: {  	[sflag:s14] =	ssyncset.done $0x0  }
0x57: {  	[sflag:s14] =	ssyncadd.s32 $0xFFFFFC00  }
0x58: {  	_ =	swait.ge [sflag:s14], $0x400  }
0x59: {  	[sflag:s14] =	ssyncset.done $0x0  }
0x5a: {  	[sflag:s14] =	ssyncadd.s32 $0xFFFFFC00  }
0x5b: {  	_ =	swait.ge [sflag:s14], $0x400  }
0x5c: {  	[sflag:s14] =	ssyncset.done $0x0  }
0x5d: {  	[sflag:s14] =	ssyncadd.s32 $0xFFFFFC00  }
0x5e: {  	_ =	swait.ge [sflag:s14], $0x400  }
0x5f: {  	[sflag:s14] =	ssyncset.done $0x0  }
0x60: {  	[sflag:s14] =	ssyncadd.s32 $0xFFFFFC00  }
0x61: {  	_ =	swait.ge [sflag:s14], $0x400  }
0x62: {  	[sflag:s14] =	ssyncset.done $0x0  }
0x63: {  	[sflag:s14] =	ssyncadd.s32 $0xFFFFFC00  }
.Ltmp0:
0x64: {  	_ =	swait.ge [sflag:s14], $0x400;
	(pc) =	sbr.rel @p0 .LBB2_2-.Ltmp0, $4  }
0x65: {  	[sflag:s14] =	ssyncset.done $0x0  }
0x66: {  	[sflag:s14] =	ssyncadd.s32 $0xFFFFFC00  }
0x67: {  	_ =	swait.ge [sflag:s14], $0x400  }
0x68: {  	s18 =	smov.u32 s17;
	[sflag:s14] =	ssyncset.done $0x0  }
0x69: {  	s16 =	sshra.s32 s16, $0x2;
	[sflag:s14] =	ssyncadd.s32 $0xFFFFFC00  }
0x6a: {  	[spmem:s2] =	stream.indirect.scatter.add.f32 [tilespmem:s12], [sflag:$0x1], $0x8, s16, s13, $0xb8;
	[tilespmem:$0x3FC0] =	vst v63  }
0x6b: {  	s17 =	sadd.s32 $0x80, s16  }
0x6c: {  	[spmem:s2] =	stream.indirect.scatter.add.f32 [tilespmem:s12], [sflag:$0x1], $0x8, s17, s13, $0xb8;
	[tilespmem:$0x3FC0] =	vst v63  }
0x6d: {  	s26 =	sadd.s32 $0x100, s16  }
0x6e: {  	[spmem:s2] =	stream.indirect.scatter.add.f32 [tilespmem:s12], [sflag:$0x1], $0x8, s26, s13, $0xb8;
	[tilespmem:$0x3FC0] =	vst v63  }
0x6f: {  	s28 =	sadd.s32 $0x180, s16  }
0x70: {  	[spmem:s2] =	stream.indirect.scatter.add.f32 [tilespmem:s12], [sflag:$0x1], $0x8, s28, s13, $0xb8;
	[tilespmem:$0x3FC0] =	vst v63  }
0x71: {  	s29 =	sadd.s32 $0x200, s16  }
0x72: {  	[spmem:s2] =	stream.indirect.scatter.add.f32 [tilespmem:s12], [sflag:$0x1], $0x8, s29, s13, $0xb8;
	[tilespmem:$0x3FC0] =	vst v63  }
0x73: {  	s30 =	sadd.s32 $0x280, s16  }
0x74: {  	[spmem:s2] =	stream.indirect.scatter.add.f32 [tilespmem:s12], [sflag:$0x1], $0x8, s30, s13, $0xb8;
	[tilespmem:$0x3FC0] =	vst v63  }
0x75: {  	s31 =	sadd.s32 $0x300, s16  }
0x76: {  	[spmem:s2] =	stream.indirect.scatter.add.f32 [tilespmem:s12], [sflag:$0x1], $0x8, s31, s13, $0xb8;
	[tilespmem:$0x3FC0] =	vst v63  }
0x77: {  	s16 =	sadd.s32 $0x380, s16  }
0x78: {  	[spmem:s2] =	stream.indirect.scatter.add.f32 [tilespmem:s12], [sflag:$0x1], $0x8, s16, s13, $0xb8;
	[tilespmem:$0x3FC0] =	vst v63  }
0x79: {  	_ =	swait.ge [sflag:s14], $0x400  }
0x7a: {  	[sflag:s14] =	ssyncset.done $0x0  }
0x7b: {  	[sflag:s14] =	ssyncadd.s32 $0xFFFFFC00  }
0x7c: {  	_ =	swait.ge [sflag:s14], $0x400  }
0x7d: {  	[sflag:s14] =	ssyncset.done $0x0  }
0x7e: {  	[sflag:s14] =	ssyncadd.s32 $0xFFFFFC00  }
0x7f: {  	_ =	swait.ge [sflag:s14], $0x400  }
0x80: {  	[sflag:s14] =	ssyncset.done $0x0  }
0x81: {  	[sflag:s14] =	ssyncadd.s32 $0xFFFFFC00  }
0x82: {  	_ =	swait.ge [sflag:s14], $0x400  }
0x83: {  	[sflag:s14] =	ssyncset.done $0x0  }
0x84: {  	[sflag:s14] =	ssyncadd.s32 $0xFFFFFC00  }
0x85: {  	_ =	swait.ge [sflag:s14], $0x400  }
0x86: {  	[sflag:s14] =	ssyncset.done $0x0  }
0x87: {  	[sflag:s14] =	ssyncadd.s32 $0xFFFFFC00  }
0x88: {  	_ =	swait.ge [sflag:s14], $0x400  }
0x89: {  	[sflag:s14] =	ssyncset.done $0x0  }
0x8a: {  	[sflag:s14] =	ssyncadd.s32 $0xFFFFFC00  }
0x8b: {  	_ =	swait.ge [sflag:s14], $0x400  }
0x8c: {  	[sflag:s14] =	ssyncset.done $0x0  }
0x8d: {  	[sflag:s14] =	ssyncadd.s32 $0xFFFFFC00  }
0x8e: {  	_ =	swait.ge [sflag:s14], $0x400  }
0x8f: {  	s15 =	sadd.s32 $0x1, s15;
	[sflag:s14] =	ssyncset.done $0x0  }
0x90: {  	p0 =	sne.s32 s15, s9;
	[sflag:s14] =	ssyncadd.s32 $0xFFFFFC00  }
.Ltmp1:
0x91: {  	[bflag:$0x0] =	sbarrier.arrive $0xFFFF;
	(pc) =	sbr.rel @p0 .LBB2_1-.Ltmp1, $4  }
0x92: {  	[hbm:s8], [sflag:s6] =	dma.local [spmem:s10], $0x278  }
0x93: {  	_ =	swait.ge [sflag:s11], $0x278  }
0x94: {  	[sflag:s11] =	ssyncset.done $0x0  }
0x95: {  	[sflag:s11] =	ssyncadd.s32 $0xFFFFFD88  }
0x96: {  	_ =	sfence.sel $0x180000  }
0x97: {  	[bflag:$0x0] =	sbarrier.arrive $0xFFFF  }
0x98: {  	p0 =	sne.s32 s0, $0x0;
	_ =	strace $0x90000047  }
0x99: {  	s0 =	sadd.s32 @!p0 $0x100000, s1;
	[bflag:$0x2] =	sbarrier.arrive $0xFFFF  }
0x9a: {  	[sflag:s0] =	ssyncadd.tile.s32 @!p0 $0x1;
	_ =	shalt  }
.Lfunc_end2:
_tile_overlayer_lowered:
.L_overlay_start_2:
0x9b: {  	(tag) =	ssettag $0x2  }
0x9c: {  	s0 =	rddreg [dreg:$0x0];
	s2 =	stileid.u32  }
0x9d: {  	s1 =	rddreg [dreg:$0x1];
	p0 =	sne.s32 s2, $0x0  }
0x9e: {  	s3 =	rddreg [dreg:$0x2];
	[bflag:$0x3] =	sbarrier.arrive $0xFFFF;
	s2 =	simm.s32 @!p0 $0x1C02  }
0x9f: {  	[timem:s3], [sflag:s2] =	dma.local @!p0 [hbm:s0], s1  }
0xa0: {  	s0 =	simm.s32 @!p0 $0x2  }
0xa1: {  	_ =	swait.ge @!p0 [sflag:s0], s1  }
0xa2: {  	s1 =	ssub.s32 @!p0 $0x0, s1;
	[sflag:s0] =	ssyncset.done @!p0 $0x0  }
0xa3: {  	[sflag:s0] =	ssyncadd.s32 @!p0 s1  }
0xa4: {  	[bflag:$0x3] =	sbarrier.arrive $0xFFFF  }
0xa5: {  	_ =	shalt  }

// kernel: kernel.9.cloned.1.call-start
scs
__scs_entry_jumppad:
0x0: {  	(pc) =	sbr.rel $0x88, $3  }
0x1: {  	(tag) =	ssettag $0x0;
	lr =	simm.s32 $0x1  }
0x2: {  	[smem:$0x3F9D] =	sst lr;
	_ =	strace $0xD0000000  }
0x3: {  	_ = 	snop  }
0x4: {  	_ = 	snop  }
0x5: {  	_ = 	snop  }
0x6: {  	_ = 	snop  }
0x7: {  	_ = 	snop  }
__scs_overlays_trampoline_lowered:
0x8: {  	[smem:$0x3FAC] =	sst s0  }
0x9: {  	[smem:$0x3FAD] =	sst s1  }
0xa: {  	[smem:$0x3FAE] =	sst s2  }
0xb: {  	[smem:$0x3FAF] =	sst s3  }
0xc: {  	[smem:$0x3FB0] =	sst s4  }
0xd: {  	[smem:$0x3FB1] =	sst s5  }
0xe: {  	[smem:$0x3FB2] =	sst s6  }
0xf: {  	[smem:$0x3FB3] =	sst s7  }
0x10: {  	[smem:$0x3FB4] =	sst s8  }
0x11: {  	[smem:$0x3FB5] =	sst s9;
	s0 =	simm.s32 @!p0 $0x0  }
0x12: {  	s1 =	sld [smem:$0x3F9B];
	s0 =	simm.s32 @p0 $0x1  }
0x13: {  	[smem:$0x3FB6] =	sst s0;
	s0 =	simm.s32 @!p1 $0x0  }
0x14: {  	s2 =	sld [smem:$0x3F9A];
	s0 =	simm.s32 @p1 $0x1  }
0x15: {  	[smem:$0x3FB7] =	sst s0;
	s0 =	simm.s32 @!p2 $0x0  }
0x16: {  	s3 =	sld [smem:$0x3FDB];
	s0 =	simm.s32 @p2 $0x1  }
0x17: {  	s4 =	simm.s32 $0x1BF5;
	[smem:$0x3FB9] =	sst s0  }
0x18: {  	s0 =	sld [smem:$0x3F9C];
	_ =	swait.ge [sflag:s4], $0x0  }
0x19: {  	s7 =	sld [smem:$0x3F9D]  }
0x1a: {  	s8 =	sadd.s32 $0xFFFFE003, lr  }
0x1b: {  	s9 =	sadd.s32 $0xFFFFFEF7, lr;
	s5 =	simm.s32 $0xFFFFFFFF;
	p2 =	slt.u32 s8, $0xFFFFF086  }
0x1c: {  	p1 =	slt.u32 s9, $0xF7A;
	s5 =	simm.s32 @!p2 $0x0  }
0x1d: {  	s5 =	simm.s32 @p1 $0x1;
	p0 =	seq.s32 s7, s2  }
0x1e: {  	s7 =	smul.u32 @!p0 $0xF7A, s2;
	p2 =	seq.s32 @!p0 s5, $0x0  }
0x1f: {  	s9 =	smul.u32 $0xF7A, s1;
	s8 =	simm.s32 @!p0 $0x1BF5;
	p2 =	por !p2, p0  }
0x20: {  	[sflag:s8] =	ssyncset.s32 @!p0 $0xFFFFF086;
	s6 =	sadd.s32 @!p0 s3, s7;
	s7 =	simm.s32 @!p0 $0x108  }
0x21: {  	s3 =	sadd.s32 s3, s9;
	s6 =	sadd.s32 @!p0 $0x88, s6;
	s7 =	simm.s32 @p2 $0x1082  }
0x22: {  	[simem:s7], [sflag:s8] =	dma.local @!p0 [hbm:s6], $0xF7A  }
0x23: {  	s9 =	sor.u32 $0xD0000000, s2;
	s6 =	simm.s32 $0x108;
	_ =	swait.ge @!p0 [sflag:s8], $0x0  }
0x24: {  	s3 =	sadd.s32 $0x88, s3;
	s6 =	simm.s32 @!p1 $0x1082;
	[sflag:s4] =	ssyncset.s32 $0xFFFFF086  }
0x25: {  	[simem:s6], [sflag:s4] =	dma.local [hbm:s3], $0xF7A  }
0x26: {  	[smem:$0x3F9D] =	sst s1;
	(tag) =	ssettag s2;
	_ =	strace s9  }
0x27: {  	s1 =	sld [smem:$0x3FAD]  }
0x28: {  	s2 =	sld [smem:$0x3FAE]  }
0x29: {  	s4 =	sld [smem:$0x3FB0]  }
0x2a: {  	p0 =	seq.s32 s5, $0x0;
	s5 =	sld [smem:$0x3FB1]  }
0x2b: {  	s6 =	sld [smem:$0x3FB2]  }
0x2c: {  	s7 =	sld [smem:$0x3FB3]  }
0x2d: {  	s3 =	simm.s32 $0x108;
	s8 =	sld [smem:$0x3FB4]  }
0x2e: {  	s3 =	simm.s32 @!p0 $0x1082;
	s9 =	sld [smem:$0x3FB5]  }
0x2f: {  	lr =	sadd.s32 s0, s3;
	s0 =	sld [smem:$0x3FAC]  }
0x30: {  	s3 =	sld [smem:$0x3FAF]  }
0x31: {  	[smem:$0x3FB8] =	sst s10  }
0x32: {  	s10 =	sld [smem:$0x3FB6];
	_ =	sdelay $0x3  }
0x33: {  	p0 =	seq.s32 s10, $0x1;
	s10 =	sld [smem:$0x3FB8];
	_ =	sdelay $0x3  }
0x34: {  	[smem:$0x3FB8] =	sst s10  }
0x35: {  	s10 =	sld [smem:$0x3FB7];
	_ =	sdelay $0x3  }
0x36: {  	p1 =	seq.s32 s10, $0x1;
	s10 =	sld [smem:$0x3FB8];
	_ =	sdelay $0x3  }
0x37: {  	[smem:$0x3FB8] =	sst s10  }
0x38: {  	s10 =	sld [smem:$0x3FB9]  }
0x39: {  	_ = 	snop;
	(pc) =	sbr.ind lr, $3  }
0x3a: {  	_ = 	snop  }
0x3b: {  	_ = 	snop  }
0x3c: {  	p2 =	seq.s32 s10, $0x1;
	s10 =	sld [smem:$0x3FB8]  }
0x3d: {  	_ =	shalt  }
0x3e: {  	_ =	shalt  }
0x3f: {  	_ =	shalt  }
0x40: {  	_ =	shalt  }
0x41: {  	_ =	shalt  }
0x42: {  	_ =	shalt  }
0x43: {  	_ =	shalt  }
0x44: {  	_ =	shalt  }
0x45: {  	_ =	shalt  }
0x46: {  	_ =	shalt  }
0x47: {  	_ =	shalt  }
0x48: {  	_ =	shalt  }
0x49: {  	_ =	shalt  }
0x4a: {  	_ =	shalt  }
0x4b: {  	_ =	shalt  }
0x4c: {  	_ =	shalt  }
0x4d: {  	_ =	shalt  }
0x4e: {  	_ =	shalt  }
0x4f: {  	_ =	shalt  }
0x50: {  	_ =	shalt  }
0x51: {  	_ =	shalt  }
0x52: {  	_ =	shalt  }
0x53: {  	_ =	shalt  }
0x54: {  	_ =	shalt  }
0x55: {  	_ =	shalt  }
0x56: {  	_ =	shalt  }
0x57: {  	_ =	shalt  }
0x58: {  	_ =	shalt  }
0x59: {  	_ =	shalt  }
0x5a: {  	_ =	shalt  }
0x5b: {  	_ =	shalt  }
0x5c: {  	_ =	shalt  }
0x5d: {  	_ =	shalt  }
0x5e: {  	_ =	shalt  }
0x5f: {  	_ =	shalt  }
0x60: {  	_ =	shalt  }
0x61: {  	_ =	shalt  }
0x62: {  	_ =	shalt  }
0x63: {  	_ =	shalt  }
0x64: {  	_ =	shalt  }
0x65: {  	_ =	shalt  }
0x66: {  	_ =	shalt  }
0x67: {  	_ =	shalt  }
0x68: {  	_ =	shalt  }
0x69: {  	_ =	shalt  }
0x6a: {  	_ =	shalt  }
0x6b: {  	_ =	shalt  }
0x6c: {  	_ =	shalt  }
0x6d: {  	_ =	shalt  }
0x6e: {  	_ =	shalt  }
0x6f: {  	_ =	shalt  }
0x70: {  	_ =	shalt  }
0x71: {  	_ =	shalt  }
0x72: {  	_ =	shalt  }
0x73: {  	_ =	shalt  }
0x74: {  	_ =	shalt  }
0x75: {  	_ =	shalt  }
0x76: {  	_ =	shalt  }
0x77: {  	_ =	shalt  }
0x78: {  	_ =	shalt  }
0x79: {  	_ =	shalt  }
0x7a: {  	_ =	shalt  }
0x7b: {  	_ =	shalt  }
0x7c: {  	_ =	shalt  }
0x7d: {  	_ =	shalt  }
0x7e: {  	_ =	shalt  }
0x7f: {  	_ =	shalt  }
0x80: {  	_ =	shalt  }
0x81: {  	_ =	shalt  }
0x82: {  	_ =	shalt  }
0x83: {  	_ =	shalt  }
0x84: {  	_ =	shalt  }
0x85: {  	_ =	shalt  }
0x86: {  	_ =	shalt  }
0x87: {  	_ =	shalt  }
.Lfunc_end0:
.L_simem_size_0:
called_computation.1_lowered:
.L_overlay_start_0:
0x88: {  	s2 =	sld [smem:$0x3FD9]  }
0x89: {  	s3 =	sld [smem:$0x3FFE];
	_ =	sdelay $0x1  }
0x8a: {  	s1 =	srdreg.scid  }
0x8b: {  	s0 =	sand.u32 $0x1, s1  }
0x8c: {  	s17 =	sshll.u32 s0, $0xA;
	s2 =	sadd.s32 s3, s2  }
0x8d: {  	s2 =	sadd.s32 s2, s17  }
0x8e: {  	[smem:$0x3FC4] =	sst s2  }
0x8f: {  	_ = 	snop  }
0x90: {  	s2 =	sld [smem:$0x3FD0];
	(tm) =	ssettm $0x1  }
0x91: {  	s18 =	sld [smem:$0x3FFB];
	_ =	sdelay $0x3  }
0x92: {  	_ =	strace s18  }
0x93: {  	s3 =	sld [smem:$0x3FFC];
	_ =	sdelay $0x3  }
0x94: {  	_ =	strace s3  }
0x95: {  	s3 =	sld [smem:$0x3FFD];
	_ =	sdelay $0x3  }
0x96: {  	_ =	strace s3  }
0x97: {  	_ =	strace $0x8FFFFFFF  }
0x98: {  	s19 =	sld [smem:$0x3FDB];
	_ =	sdelay $0x1  }
0x99: {  	s4 =	simm.s32 $_scs_section_size  }
0x9a: {  	s5 =	simm.s32 $_size__tile_overlayer_lowered;
	s6 =	simm.s32 $_tile_overlayer_lowered  }
0x9b: {  	s22 =	simm.s32 $0x1BFF;
	s21 =	sshll.u32 s6, $0x1;
	s3 =	sadd.s32 s4, s19  }
0x9c: {  	s7 =	simm.s32 $0x0;
	s20 =	sshll.u32 s5, $0x1;
	s5 =	sadd.s32 s21, s3  }
0x9d: {  	[timem:s7], [sflag:s22] =	dma.local [hbm:s5], s20  }
0x9e: {  	_ =	swait.ge [sflag:s22], s20  }
0x9f: {  	s4 =	ssub.s32 $0x0, s20;
	[sflag:s22] =	ssyncset.done $0x0  }
0xa0: {  	[sflag:s22] =	ssyncadd.s32 s4;
	_ =	sdelay $0x1  }
0xa1: {  	s23 =	simm.s32 $0x1B8B  }
0xa2: {  	_ =	swait.ge [sflag:s23], $0x1  }
0xa3: {  	[sflag:s23] =	ssyncset.done $0x0  }
0xa4: {  	s25 =	simm.s32 $0x1B8E;
	s24 =	sld [smem:$0x3FFE];
	[sflag:s23] =	ssyncadd.s32 $0xFFFFFFFF  }
0xa5: {  	s26 =	simm.s32 $execute0_lowered;
	[smem:$0x3FD2] =	sst s25  }
0xa6: {  	s5 =	sshll.u32 s26, $0x1;
	_ =	strace $0x80000049;
	[dreg:$0x1] =	wrdreg $0xFFFFFFFF  }
0xa7: {  	s28 =	simm.s32 $_size_execute0_lowered;
	s3 =	sadd.s32 s3, s5;
	[dreg:$0x0] =	wrdreg $0x0  }
0xa8: {  	s5 =	sshll.u32 s28, $0x1;
	[dreg:$0x2] =	wrdreg s3  }
0xa9: {  	[dreg:$0x3] =	wrdreg s5  }
0xaa: {  	[dreg:$0x4] =	wrdreg $0xC0  }
0xab: {  	_ =	task [dreg:s7], $0x5FFFF  }
0xac: {  	[dreg:$0x1] =	wrdreg $0xFFFFFFFF  }
0xad: {  	[dreg:$0x0] =	wrdreg $0x60  }
0xae: {  	[dreg:$0x2] =	wrdreg s2  }
0xaf: {  	[dreg:$0x3] =	wrdreg s24  }
0xb0: {  	[dreg:$0x4] =	wrdreg $0x90000  }
0xb1: {  	[dreg:$0x5] =	wrdreg $0x12E000  }
0xb2: {  	[dreg:$0x6] =	wrdreg $0x9  }
0xb3: {  	_ =	task.clear_ibuf [dreg:s7], $0x7FFFF;
	_ =	strace $0x90000049  }
0xb4: {  	s29 =	simm.s32 $0x9;
	_ =	strace $0x8000004B  }
0xb5: {  	_ =	swait.ge [sflag:s29], $0x1  }
0xb6: {  	[sflag:s29] =	ssyncadd.s32 $0xFFFFFFFF  }
0xb7: {  	_ =	strace $0x9000004B  }
0xb8: {  	_ =	sfence  }
0xb9: {  	s30 =	sld [smem:$0x0];
	_ =	sdelay $0x2  }
0xba: {  	s31 =	sshll.u32 s1, $0xD;
	s1 =	sshrl.u32 s1, $0x2  }
0xbb: {  	s3 =	sand.u32 $0x4000, s31;
	s1 =	sadd.s32 s1, s30  }
0xbc: {  	s0 =	sor.u32 s3, s0;
	s1 =	sshll.u32 s1, $0x11  }
0xbd: {  	s0 =	sor.u32 s1, s0  }
0xbe: {  	s0 =	sadd.s32 $0x8F2B, s0  }
0xbf: {  	[sflag:s0] =	ssyncadd.remote.s32 $0x1  }
0xc0: {  	_ =	sfence.sel $0xFFFF  }
0xc1: {  	[dreg:$0x0] =	wrdreg $0xFFFFFFFF;
	(pc) =	sbr.abs _section_cstart, $3  }
0xc2: {  	[dreg:$0x1] =	wrdreg $0xFFFFFFFF  }
0xc3: {  	_ =	task.clear_ibuf [dreg:s7], $0x2FFFF;
	_ =	strace $0x9FFFFFFF  }
0xc4: {  	(tm) =	ssettm $0x7FFFFFFF  }
0xc5: {  	_ =	shalt  }
tec
execute0_lowered:
.L_overlay_start_1:
0x0: {  	(tag) =	ssettag $0x1  }
0x1: {  	s5 =	rddreg [dreg:$0x0]  }
0x2: {  	s6 =	rddreg [dreg:$0x1]  }
0x3: {  	s1 =	srdreg.scid;
	s2 =	rddreg [dreg:$0x2]  }
0x4: {  	s0 =	stileid.u32;
	s3 =	rddreg [dreg:$0x3];
	s4 =	simm.s32 $0x0  }
0x5: {  	s14 =	simm.s32 $0x2800;
	s15 =	simm.s32 $0x80;
	s16 =	simm.s32 $0x5000  }
0x6: {  	s17 =	simm.s32 $0x1;
	s18 =	simm.s32 $0x7000;
	s19 =	simm.s32 $0x2  }
0x7: {  	s20 =	simm.s32 $0x2780;
	s21 =	simm.s32 $0x4F00;
	s22 =	simm.s32 $0x4F80  }
0x8: {  	s23 =	simm.s32 $0x0;
	s7 =	sand.u32 $0x1, s1;
	s1 =	rddreg [dreg:$0x4]  }
0x9: {  	s8 =	smul.u32 $0x9E00, s0;
	s9 =	sshll.u32 s0, $0x1;
	[smem:$0x7FF] =	sst s4  }
0xa: {  	s31 =	sshll.u32 s0, $0x6;
	s10 =	smul.u32 $0x9E000, s7;
	s9 =	sor.u32 s7, s9  }
0xb: {  	_ =	strace $0x8000004A;
	s7 =	ssub.s32 $0x2, s7;
	s9 =	smul.u32 $0x500, s9  }
0xc: {  	s29 =	sshrl.u32 s7, $0x1;
	s30 =	sshrl.u32 s8, $0x3;
	s12 =	sadd.s32 s8, s2  }
0xd: {  	s13 =	sadd.s32 s8, s3;
	s10 =	sadd.s32 s8, s10;
	s11 =	ssub.s32 s7, s29  }
0xe: {  	s5 =	sadd.s32 s5, s30;
	s13 =	sshrl.u32 s13, $0x3;
	s10 =	sshrl.u32 s10, $0x3  }
0xf: {  	s9 =	sadd.s32 s9, s6;
	s10 =	sadd.s32 s10, s6;
	s6 =	sor.u32 $0x1C03, s31  }
0x10: {  	s7 =	sadd.s32 $0xD800, s9;
	s8 =	sadd.s32 $0xE00, s9;
	s9 =	sadd.s32 $0x17800, s10  }
0x11: {  	s10 =	smax.u32 s11, $0x1;
	s11 =	sshrl.u32 s12, $0x3;
	s12 =	simm.s32 $0x3  }
.LBB2_1:
0x12: {  	[spmem:s11], [sflag:s6] =	dma.local [hbm:s5], $0x13C0  }
0x13: {  	_ =	swait.ge [sflag:s12], $0x13C0  }
0x14: {  	[sflag:s12] =	ssyncset.done $0x0  }
0x15: {  	[sflag:s12] =	ssyncadd.s32 $0xFFFFEC40  }
0x16: {  	[spmem:s13], [sflag:s6] =	dma.local [hbm:s5], $0x13C0  }
0x17: {  	_ =	swait.ge [sflag:s12], $0x13C0  }
0x18: {  	[sflag:s12] =	ssyncset.done $0x0  }
0x19: {  	[sflag:s12] =	ssyncadd.s32 $0xFFFFEC40  }
0x1a: {  	[tilespmem:s4], [sflag:$0x3] =	stream.linear.gather [hbm4b:s7+s4], $0x2800, $0x38;
	[tilespmem:$0x1CC00] =	vst v63  }
0x1b: {  	_ =	swait.ge [sflag:s12], $0x2800  }
0x1c: {  	[sflag:s12] =	ssyncset.done $0x0  }
0x1d: {  	[sflag:s12] =	ssyncadd.s32 $0xFFFFD800  }
0x1e: {  	[tilespmem:s14], [sflag:$0x3] =	stream.linear.gather [hbm4b:s8+s4], $0x2800, $0x38;
	[tilespmem:$0x1CC00] =	vst v63  }
0x1f: {  	_ =	swait.ge [sflag:s12], $0x2800  }
0x20: {  	[sflag:s12] =	ssyncset.done $0x0  }
0x21: {  	[sflag:s12] =	ssyncadd.s32 $0xFFFFD800  }
0x22: {  	[bflag:$0x0] =	sbarrier.arrive $0xFFFF  }
0x23: {  	[tilespmem:s16], [sflag:$0x1] =	stream.indirect.gather [spmem:s2], $0x40, s4, s15, $0xb8;
	[tilespmem:$0x1CC00] =	vst v63  }
0x24: {  	_ =	swait.ge [sflag:s17], $0x2000  }
0x25: {  	[sflag:s17] =	ssyncset.done $0x0  }
0x26: {  	s24 =	simm.s32 $0x80;
	[sflag:s17] =	ssyncadd.s32 $0xFFFFE000  }
0x27: {  	[tilespmem:s18], [sflag:$0x2] =	stream.indirect.gather [spmem:s2], $0x40, s24, s15, $0xb8;
	[tilespmem:$0x1CC00] =	vst v63  }
0x28: {  	s29 =	simm.s32 $0x2800  }
0x29: {  	[spmem:s3] =	stream.indirect.scatter.add.f32 [tilespmem:s16], [sflag:$0x3], $0x40, s29, s15, $0xb8;
	[tilespmem:$0x1CC00] =	vst v63  }
0x2a: {  	_ =	swait.ge [sflag:s12], $0x2000  }
0x2b: {  	[sflag:s12] =	ssyncset.done $0x0  }
0x2c: {  	[sflag:s12] =	ssyncadd.s32 $0xFFFFE000  }
0x2d: {  	_ =	swait.ge [sflag:s19], $0x2000  }
0x2e: {  	[sflag:s19] =	ssyncset.done $0x0  }
0x2f: {  	s30 =	simm.s32 $0x100;
	[sflag:s19] =	ssyncadd.s32 $0xFFFFE000  }
0x30: {  	[tilespmem:s16], [sflag:$0x1] =	stream.indirect.gather [spmem:s2], $0x40, s30, s15, $0xb8;
	[tilespmem:$0x1CC00] =	vst v63  }
0x31: {  	s31 =	simm.s32 $0x2880  }
0x32: {  	[spmem:s3] =	stream.indirect.scatter.add.f32 [tilespmem:s18], [sflag:$0x3], $0x40, s31, s15, $0xb8;
	[tilespmem:$0x1CC00] =	vst v63  }
0x33: {  	_ =	swait.ge [sflag:s12], $0x2000  }
0x34: {  	s24 =	simm.s32 $0x400;
	[sflag:s12] =	ssyncset.done $0x0  }
.LBB2_2:
0x35: {  	p0 =	sne.s32 s24, $0x9800  }
0x36: {  	[sflag:s12] =	ssyncadd.s32 $0xFFFFE000;
	s25 =	smov.u32 s24;
	s24 =	sadd.s32 $0x400, s24  }
0x37: {  	_ = 	snop  }
0x38: {  	_ =	swait.ge [sflag:s17], $0x2000  }
0x39: {  	s25 =	sshra.s32 s25, $0x2;
	[sflag:s17] =	ssyncset.done $0x0  }
0x3a: {  	s26 =	sadd.s32 $0x80, s25;
	[sflag:s17] =	ssyncadd.s32 $0xFFFFE000  }
0x3b: {  	[tilespmem:s18], [sflag:$0x2] =	stream.indirect.gather [spmem:s2], $0x40, s26, s15, $0xb8;
	[tilespmem:$0x1CC00] =	vst v63  }
0x3c: {  	s26 =	sadd.s32 $0x2800, s25  }
0x3d: {  	[spmem:s3] =	stream.indirect.scatter.add.f32 [tilespmem:s16], [sflag:$0x3], $0x40, s26, s15, $0xb8;
	[tilespmem:$0x1CC00] =	vst v63  }
0x3e: {  	_ =	swait.ge [sflag:s12], $0x2000  }
0x3f: {  	[sflag:s12] =	ssyncset.done $0x0  }
0x40: {  	[sflag:s12] =	ssyncadd.s32 $0xFFFFE000  }
0x41: {  	_ =	swait.ge [sflag:s19], $0x2000  }
0x42: {  	[sflag:s19] =	ssyncset.done $0x0  }
0x43: {  	s26 =	sadd.s32 $0x100, s25;
	[sflag:s19] =	ssyncadd.s32 $0xFFFFE000  }
0x44: {  	[tilespmem:s16], [sflag:$0x1] =	stream.indirect.gather [spmem:s2], $0x40, s26, s15, $0xb8;
	[tilespmem:$0x1CC00] =	vst v63  }
.Ltmp0:
0x45: {  	_ = 	snop;
	(pc) =	sbr.rel @p0 .LBB2_2-.Ltmp0, $4  }
0x46: {  	s25 =	sadd.s32 $0x2880, s25  }
0x47: {  	[spmem:s3] =	stream.indirect.scatter.add.f32 [tilespmem:s18], [sflag:$0x3], $0x40, s25, s15, $0xb8;
	[tilespmem:$0x1CC00] =	vst v63  }
0x48: {  	_ =	swait.ge [sflag:s12], $0x2000  }
0x49: {  	[sflag:s12] =	ssyncset.done $0x0  }
0x4a: {  	[sflag:s12] =	ssyncadd.s32 $0xFFFFE000  }
0x4b: {  	_ =	swait.ge [sflag:s17], $0x2000  }
0x4c: {  	[sflag:s17] =	ssyncset.done $0x0  }
0x4d: {  	[sflag:s17] =	ssyncadd.s32 $0xFFFFE000  }
0x4e: {  	[tilespmem:s18], [sflag:$0x2] =	stream.indirect.gather [spmem:s2], $0x40, s20, s15, $0xb8;
	[tilespmem:$0x1CC00] =	vst v63  }
0x4f: {  	_ = 	snop  }
0x50: {  	[spmem:s3] =	stream.indirect.scatter.add.f32 [tilespmem:s16], [sflag:$0x3], $0x40, s21, s15, $0xb8;
	[tilespmem:$0x1CC00] =	vst v63  }
0x51: {  	_ =	swait.ge [sflag:s12], $0x2000  }
0x52: {  	[sflag:s12] =	ssyncset.done $0x0  }
0x53: {  	[sflag:s12] =	ssyncadd.s32 $0xFFFFE000  }
0x54: {  	_ =	swait.ge [sflag:s19], $0x2000  }
0x55: {  	[sflag:s19] =	ssyncset.done $0x0  }
0x56: {  	[sflag:s19] =	ssyncadd.s32 $0xFFFFE000  }
0x57: {  	[spmem:s3] =	stream.indirect.scatter.add.f32 [tilespmem:s18], [sflag:$0x3], $0x40, s22, s15, $0xb8;
	[tilespmem:$0x1CC00] =	vst v63  }
0x58: {  	_ =	swait.ge [sflag:s12], $0x2000  }
0x59: {  	s23 =	sadd.s32 $0x1, s23;
	[sflag:s12] =	ssyncset.done $0x0  }
0x5a: {  	p0 =	sne.s32 s23, s10;
	[sflag:s12] =	ssyncadd.s32 $0xFFFFE000  }
.Ltmp1:
0x5b: {  	[bflag:$0x0] =	sbarrier.arrive $0xFFFF;
	(pc) =	sbr.rel @p0 .LBB2_1-.Ltmp1, $4  }
0x5c: {  	[hbm:s9], [sflag:s6] =	dma.local [spmem:s13], $0x13C0  }
0x5d: {  	_ =	swait.ge [sflag:s12], $0x13C0  }
0x5e: {  	[sflag:s12] =	ssyncset.done $0x0  }
0x5f: {  	[sflag:s12] =	ssyncadd.s32 $0xFFFFEC40  }
0x60: {  	_ =	sfence.sel $0x180000  }
0x61: {  	[bflag:$0x0] =	sbarrier.arrive $0xFFFF  }
0x62: {  	p0 =	sne.s32 s0, $0x0;
	_ =	strace $0x9000004A  }
0x63: {  	s0 =	sadd.s32 @!p0 $0x100000, s1;
	[bflag:$0x2] =	sbarrier.arrive $0xFFFF  }
0x64: {  	[sflag:s0] =	ssyncadd.tile.s32 @!p0 $0x1;
	_ =	shalt  }
.Lfunc_end2:
_tile_overlayer_lowered:
.L_overlay_start_2:
0x65: {  	(tag) =	ssettag $0x2  }
0x66: {  	s0 =	rddreg [dreg:$0x0];
	s2 =	stileid.u32  }
0x67: {  	s1 =	rddreg [dreg:$0x1];
	p0 =	sne.s32 s2, $0x0  }
0x68: {  	s3 =	rddreg [dreg:$0x2];
	[bflag:$0x3] =	sbarrier.arrive $0xFFFF;
	s2 =	simm.s32 @!p0 $0x1C03  }
0x69: {  	[timem:s3], [sflag:s2] =	dma.local @!p0 [hbm:s0], s1  }
0x6a: {  	s0 =	simm.s32 @!p0 $0x3  }
0x6b: {  	_ =	swait.ge @!p0 [sflag:s0], s1  }
0x6c: {  	s1 =	ssub.s32 @!p0 $0x0, s1;
	[sflag:s0] =	ssyncset.done @!p0 $0x0  }
0x6d: {  	[sflag:s0] =	ssyncadd.s32 @!p0 s1  }
0x6e: {  	[bflag:$0x3] =	sbarrier.arrive $0xFFFF  }
0x6f: {  	_ =	shalt  }

</sc_bundles>
